<compile_context>
chip_gen: v7x
topology: tpu7x:2x2x1
jax: 0.10.2.dev20260603
libtpu: 0.0.44.dev20260713+nightly
codegen_flags: <defaults>
</compile_context>

<pallas_src>
import functools

import jax
import jax.numpy as jnp
from jax import lax
from jax.experimental import pallas as pl
from jax.experimental.pallas import tpu as pltpu
from jax.experimental.pallas import tpu_sc as plsc

B, L, D = 16, 4096, 768
NC, NS = 2, 16
NW = NC * NS
ROWS_PER_W = (B * L) // NW
CHUNK = 32
N_CHUNKS = ROWS_PER_W // CHUNK

_RANK_CH = 256
_BCAST_CH = 512


def _argsort_body(brow_ref, bcol_ref, s_ref):
    krow = brow_ref[...]
    i_row = lax.broadcasted_iota(jnp.int32, (1, L), 1)
    ones_row = jnp.ones((8, _RANK_CH), jnp.float32)
    rank_f = jnp.zeros((1, L), jnp.float32)
    for c in range(L // _RANK_CH):
        kj = bcol_ref[c * _RANK_CH:(c + 1) * _RANK_CH, :]
        j_col = c * _RANK_CH + lax.broadcasted_iota(
            jnp.int32, (_RANK_CH, 1), 0)
        m = (kj < krow) | ((kj == krow) & (j_col < i_row))
        rank_f = rank_f + jnp.dot(ones_row, m.astype(jnp.float32),
                                  preferred_element_type=jnp.float32)[0:1, :]
    for c in range(L // _RANK_CH):
        k_col = (c * _RANK_CH + lax.broadcasted_iota(
            jnp.int32, (_RANK_CH, 1), 0)).astype(jnp.float32)
        eq = rank_f == k_col
        s_chunk = jnp.sum(jnp.where(eq, i_row, 0), axis=1, keepdims=True)
        s_ref[c * _RANK_CH:(c + 1) * _RANK_CH, :] = s_chunk


def _bcast_body(s_ref, o_ref):
    o_ref[...] = jnp.broadcast_to(s_ref[...][None, :, :], (1, _BCAST_CH, D))


@functools.partial(
    pl.kernel,
    out_type=jax.ShapeDtypeStruct((B * L, D), jnp.float32),
    mesh=plsc.VectorSubcoreMesh(core_axis_name="c", subcore_axis_name="s"),
    scratch_types=(
        [pltpu.VMEM((ROWS_PER_W,), jnp.int32)]
        + [pltpu.VMEM((CHUNK, D), jnp.float32)] * 4
        + [pltpu.SemaphoreType.DMA] * 8
    ),
)
def _sc_gather(x_hbm, s_hbm, out_hbm, idx_all, d0, d1, d2, d3,
               g0, g1, g2, g3, w0, w1, w2, w3):
    cid = lax.axis_index("c")
    sid = lax.axis_index("s")
    wid = sid * NC + cid
    base = wid * ROWS_PER_W
    b_off = (wid // (L // ROWS_PER_W)) * L
    k0 = (wid % (L // ROWS_PER_W)) * ROWS_PER_W

    pltpu.sync_copy(s_hbm.at[pl.ds(k0, ROWS_PER_W)], idx_all)

    @pl.loop(0, ROWS_PER_W, step=16)
    def _(i):
        sl = pl.ds(i, 16)
        idx_all[sl] = idx_all[sl] + b_off

    def g_start(c, dbuf, sem):
        pltpu.async_copy(x_hbm.at[idx_all.at[pl.ds(c * CHUNK, CHUNK)]],
                         dbuf, sem)

    def g_wait(dbuf, sem):
        pltpu.make_async_copy(
            x_hbm.at[idx_all.at[pl.ds(0, CHUNK)]], dbuf, sem).wait()

    def w_start(c, dbuf, sem):
        pltpu.async_copy(dbuf, out_hbm.at[pl.ds(base + c * CHUNK, CHUNK)],
                         sem)

    def w_wait(dbuf, sem):
        pltpu.make_async_copy(dbuf, out_hbm.at[pl.ds(base, CHUNK)],
                              sem).wait()

    bufs = [d0, d1, d2, d3]
    gsems = [g0, g1, g2, g3]
    wsems = [w0, w1, w2, w3]
    g_start(0, bufs[0], gsems[0])
    g_start(1, bufs[1], gsems[1])

    @pl.loop(0, N_CHUNKS // 4)
    def _(s):
        for j in range(4):
            c = 4 * s + j
            jj = (j + 2) % 4
            g_wait(bufs[j], gsems[j])
            if j < 2:
                @pl.when(s > 0)
                def _(jj=jj):
                    w_wait(bufs[jj], wsems[jj])
                g_start(c + 2, bufs[jj], gsems[jj])
            else:
                w_wait(bufs[jj], wsems[jj])

                @pl.when(s < N_CHUNKS // 4 - 1)
                def _(c=c, jj=jj):
                    g_start(c + 2, bufs[jj], gsems[jj])
            w_start(c, bufs[j], wsems[j])

    w_wait(bufs[2], wsems[2])
    w_wait(bufs[3], wsems[3])


def kernel(x, blocks):
    s_col = pl.pallas_call(
        _argsort_body,
        out_shape=jax.ShapeDtypeStruct((L, 1), jnp.int32),
    )(blocks, blocks.reshape(L, 1))

    out1 = _sc_gather(x.reshape(B * L, D), s_col.reshape(L))

    out2 = pl.pallas_call(
        _bcast_body,
        grid=(B, L // _BCAST_CH),
        in_specs=[pl.BlockSpec((_BCAST_CH, 1), lambda b, c: (c, 0))],
        out_specs=pl.BlockSpec((1, _BCAST_CH, D), lambda b, c: (b, c, 0)),
        out_shape=jax.ShapeDtypeStruct((B, L, D), jnp.int32),
    )(s_col)

    return (out1.reshape(B, L, D), out2)

# --- scband reference (transcript-rebuilt; emitter-appended) ---
"""Pipeline reference for scband-reorder-to-block-wise-mask-8881992368688 (READ-ONLY COPY).

The authoritative reference and input builder live on the scoring server;
editing this copy changes nothing except your own understanding.
"""

import jax, jax.numpy as jnp
import numpy as np


def setup_inputs(seed: int = 0) -> dict:
    key = jax.random.key(seed)
    k1, k2 = jax.random.split(key)
    x = jax.random.normal(k1, (16, 4096, 768), dtype=jnp.float32)
    blocks = jax.random.uniform(k2, (1, 4096), dtype=jnp.float32)
    return {"x": x, "blocks": blocks}


def reference(x, blocks):
    B, L, D = x.shape
    # torch.randint(low=0, high=blocks.shape[0], size=[B]) -> with n_blocks == 1
    # this is deterministically all zeros, in both torch and jax.
    block_indices = jax.random.randint(jax.random.key(1), (B,), 0, blocks.shape[0])
    mask = blocks[block_indices]
    sorted_indices = jnp.argsort(mask, axis=1)
    expanded_sorted_indices = jnp.broadcast_to(sorted_indices[:, :, None], (B, L, D))
    reordered_x = jnp.take_along_axis(x, expanded_sorted_indices, axis=1)
    return (reordered_x, expanded_sorted_indices)

if __name__ == "__main__":
    import jax
    _d = setup_inputs()
    print(jax.jit(kernel)(*tuple(_d.values())))

</pallas_src>

<mosaic_0001>
#map = affine_map<(d0, d1) -> (0, 0)>
#map1 = affine_map<(d0, d1) -> (0)>
module attributes {stable_mosaic.version = 14 : i64} {
  func.func @_sc_gather(%arg0: i32, %arg1: i32, %arg2: memref<65536x768xf32, #tpu.memory_space<hbm>>, %arg3: memref<4096xi32, #tpu.memory_space<hbm>>, %arg4: memref<65536x768xf32, #tpu.memory_space<hbm>>, %arg5: memref<2048xi32, #tpu.memory_space<vmem>>, %arg6: memref<32x768xf32, #tpu.memory_space<vmem>>, %arg7: memref<32x768xf32, #tpu.memory_space<vmem>>, %arg8: memref<32x768xf32, #tpu.memory_space<vmem>>, %arg9: memref<32x768xf32, #tpu.memory_space<vmem>>, %arg10: memref<!tpu.dma_semaphore, #tpu.memory_space<semaphore_mem>>, %arg11: memref<!tpu.dma_semaphore, #tpu.memory_space<semaphore_mem>>, %arg12: memref<!tpu.dma_semaphore, #tpu.memory_space<semaphore_mem>>, %arg13: memref<!tpu.dma_semaphore, #tpu.memory_space<semaphore_mem>>, %arg14: memref<!tpu.dma_semaphore, #tpu.memory_space<semaphore_mem>>, %arg15: memref<!tpu.dma_semaphore, #tpu.memory_space<semaphore_mem>>, %arg16: memref<!tpu.dma_semaphore, #tpu.memory_space<semaphore_mem>>, %arg17: memref<!tpu.dma_semaphore, #tpu.memory_space<semaphore_mem>>) attributes {dimension_semantics = [#tpu.dimension_semantics<core_parallel>, #tpu.dimension_semantics<subcore_parallel>], iteration_bounds = array<i64: 2, 16>, scalar_prefetch = 0 : i64, scratch_operands = 13 : i64, tpu.core_type = #tpu.core_type<sc_vector_subcore>, window_params = [{transform_indices = #map}, {transform_indices = #map1}, {transform_indices = #map}]} {
    %mul3A = arith.constant 2 : i32
    %mul3A_0 = arith.muli %arg1, %mul3A : i32
    %add3A = arith.addi %mul3A_0, %arg0 : i32
    %mul3A_1 = arith.constant 2048 : i32
    %mul3A_2 = arith.muli %add3A, %mul3A_1 : i32
    %jit3A = arith.constant 2 : i32
    %div3A = arith.divsi %add3A, %jit3A : i32
    %sign3A = arith.constant 0 : i32
    %sign3A_3 = arith.cmpi sgt, %add3A, %sign3A : i32
    %sign3A_4 = arith.extui %sign3A_3 : i1 to i32
    %sign3A_5 = arith.constant 0 : i32
    %sign3A_6 = arith.cmpi slt, %add3A, %sign3A_5 : i32
    %sign3A_7 = arith.extui %sign3A_6 : i1 to i32
    %sign3A_8 = arith.subi %sign3A_4, %sign3A_7 : i32
    %sign3A_9 = arith.constant 0 : i32
    %sign3A_10 = arith.cmpi sgt, %jit3A, %sign3A_9 : i32
    %sign3A_11 = arith.extui %sign3A_10 : i1 to i32
    %sign3A_12 = arith.constant 0 : i32
    %sign3A_13 = arith.cmpi slt, %jit3A, %sign3A_12 : i32
    %sign3A_14 = arith.extui %sign3A_13 : i1 to i32
    %sign3A_15 = arith.subi %sign3A_11, %sign3A_14 : i32
    %ne3A = arith.cmpi ne, %sign3A_8, %sign3A_15 : i32
    %rem3A = arith.remsi %add3A, %jit3A : i32
    %ne3A_16 = arith.constant 0 : i32
    %ne3A_17 = arith.cmpi ne, %rem3A, %ne3A_16 : i32
    %and3A = arith.andi %ne3A, %ne3A_17 : i1
    %sub3A = arith.constant 1 : i32
    %sub3A_18 = arith.subi %div3A, %sub3A : i32
    %select_n3A = arith.select %and3A, %sub3A_18, %div3A : i32
    %mul3A_19 = arith.constant 4096 : i32
    %mul3A_20 = arith.muli %select_n3A, %mul3A_19 : i32
    %jit3A_21 = arith.constant 2 : i32
    %eq3A = arith.constant 0 : i32
    %eq3A_22 = arith.cmpi eq, %jit3A_21, %eq3A : i32
    %jit3A_23 = arith.constant 1 : i32
    %select_n3A_24 = arith.select %eq3A_22, %jit3A_23, %jit3A_21 : i32
    %rem3A_25 = arith.remsi %add3A, %select_n3A_24 : i32
    %ne3A_26 = arith.constant 0 : i32
    %ne3A_27 = arith.cmpi ne, %rem3A_25, %ne3A_26 : i32
    %lt3A = arith.constant 0 : i32
    %lt3A_28 = arith.cmpi slt, %rem3A_25, %lt3A : i32
    %lt3A_29 = arith.constant 0 : i32
    %lt3A_30 = arith.cmpi slt, %select_n3A_24, %lt3A_29 : i32
    %ne3A_31 = arith.xori %lt3A_28, %lt3A_30 : i1
    %and3A_32 = arith.andi %ne3A_31, %ne3A_27 : i1
    %add3A_33 = arith.addi %rem3A_25, %select_n3A_24 : i32
    %select_n3A_34 = arith.select %and3A_32, %add3A_33, %rem3A_25 : i32
    %mul3A_35 = arith.constant 2048 : i32
    %mul3A_36 = arith.muli %select_n3A_34, %mul3A_35 : i32
    "tpu.region"() ({
      %run_scoped3A = tpu.sem_alloc : memref<!tpu.dma_semaphore, #tpu.memory_space<semaphore_mem>>
      %dma_start3A_62 = tpu.memref_slice %arg3[%mul3A_36] : memref<4096xi32, #tpu.memory_space<hbm>> -> memref<2048xi32, #tpu.memory_space<hbm>>
      %dma_start3A_63 = tpu.memref_slice %arg3[%mul3A_36] : memref<4096xi32, #tpu.memory_space<hbm>> -> memref<2048xi32, #tpu.memory_space<hbm>>
      tpu.enqueue_dma source(%dma_start3A_63 : memref<2048xi32, #tpu.memory_space<hbm>>) target(%arg5 : memref<2048xi32, #tpu.memory_space<vmem>>) target_semaphore(%run_scoped3A : memref<!tpu.dma_semaphore, #tpu.memory_space<semaphore_mem>>)
      %dma_wait3A_64 = tpu.memref_slice %arg3[%mul3A_36] : memref<4096xi32, #tpu.memory_space<hbm>> -> memref<2048xi32, #tpu.memory_space<hbm>>
      %dma_wait3A_65 = tpu.memref_slice %arg3[%mul3A_36] : memref<4096xi32, #tpu.memory_space<hbm>> -> memref<2048xi32, #tpu.memory_space<hbm>>
      tpu.wait_dma2 semaphore(%run_scoped3A : memref<!tpu.dma_semaphore, #tpu.memory_space<semaphore_mem>>) src(%dma_wait3A_65 : memref<2048xi32, #tpu.memory_space<hbm>>) dst(%arg5 : memref<2048xi32, #tpu.memory_space<vmem>>)
      tpu.yield
    }) : () -> ()
    %scan3A = arith.constant 0 : i32
    %scan3A_37 = arith.constant 128 : i32
    %scan3A_38 = arith.addi %scan3A, %scan3A_37 : i32
    %scan3A_39 = arith.constant 1 : i32
    scf.for %scan3A_62 = %scan3A to %scan3A_38 step %scan3A_39  : i32 {
      %mul3A_63 = arith.constant 16 : i32
      %mul3A_64 = arith.muli %scan3A_62, %mul3A_63 : i32
      %add3A_65 = arith.constant 0 : i32
      %add3A_66 = arith.addi %add3A_65, %mul3A_64 : i32
      %get3A = arith.index_cast %add3A_66 : i32 to index
      %get3A_67 = tpu.vector_load %arg5[%get3A] {strides = array<i32>} : memref<2048xi32, #tpu.memory_space<vmem>>, vector<16xi32>,
      %get3A_68 = vector.shape_cast %get3A_67 : vector<16xi32> to vector<16xi32>
      %add3A_69 = vector.broadcast %mul3A_20 : i32 to vector<16xi32>
      %add3A_70 = arith.addi %get3A_68, %add3A_69 : vector<16xi32>
      %swap3A = arith.index_cast %add3A_66 : i32 to index
      %swap3A_71 = tpu.vector_load %arg5[%swap3A] {strides = array<i32>} : memref<2048xi32, #tpu.memory_space<vmem>>, vector<16xi32>,
      %swap3A_72 = vector.shape_cast %swap3A_71 : vector<16xi32> to vector<16xi32>
      %swap3A_73 = vector.shape_cast %add3A_70 : vector<16xi32> to vector<16xi32>
      tpu.vector_store %arg5[%swap3A], %swap3A_73 {strides = array<i32>} : memref<2048xi32, #tpu.memory_space<vmem>>, vector<16xi32>,
    }
    %scan3A_40 = arith.constant 128 : i32
    %dma_start3A = arith.constant 0 : i32
    %dma_start3A_41 = tpu.memref_slice %arg5[%dma_start3A] : memref<2048xi32, #tpu.memory_space<vmem>> -> memref<32xi32, #tpu.memory_space<vmem>>
    %dma_start3A_42 = arith.constant 0 : i32
    %dma_start3A_43 = arith.constant 0 : i32
    %dma_start3A_44 = tpu.memref_slice %arg2[%dma_start3A_42, %dma_start3A_43] : memref<65536x768xf32, #tpu.memory_space<hbm>> -> memref<65536x768xf32, #tpu.memory_space<hbm>>
    tpu.enqueue_indirect_dma source(%dma_start3A_44 : memref<65536x768xf32, #tpu.memory_space<hbm>>) target(%arg6 : memref<32x768xf32, #tpu.memory_space<vmem>>) offsets(%dma_start3A_41 : memref<32xi32, #tpu.memory_space<vmem>>) semaphore(%arg10 : memref<!tpu.dma_semaphore, #tpu.memory_space<semaphore_mem>>)
    %dma_start3A_45 = arith.constant 32 : i32
    %dma_start3A_46 = tpu.memref_slice %arg5[%dma_start3A_45] : memref<2048xi32, #tpu.memory_space<vmem>> -> memref<32xi32, #tpu.memory_space<vmem>>
    %dma_start3A_47 = arith.constant 0 : i32
    %dma_start3A_48 = arith.constant 0 : i32
    %dma_start3A_49 = tpu.memref_slice %arg2[%dma_start3A_47, %dma_start3A_48] : memref<65536x768xf32, #tpu.memory_space<hbm>> -> memref<65536x768xf32, #tpu.memory_space<hbm>>
    tpu.enqueue_indirect_dma source(%dma_start3A_49 : memref<65536x768xf32, #tpu.memory_space<hbm>>) target(%arg7 : memref<32x768xf32, #tpu.memory_space<vmem>>) offsets(%dma_start3A_46 : memref<32xi32, #tpu.memory_space<vmem>>) semaphore(%arg11 : memref<!tpu.dma_semaphore, #tpu.memory_space<semaphore_mem>>)
    %scan3A_50 = arith.constant 0 : i32
    %scan3A_51 = arith.constant 16 : i32
    %scan3A_52 = arith.addi %scan3A_50, %scan3A_51 : i32
    %scan3A_53 = arith.constant 1 : i32
    scf.for %scan3A_62 = %scan3A_50 to %scan3A_52 step %scan3A_53  : i32 {
      %mul3A_63 = arith.constant 1 : i32
      %mul3A_64 = arith.muli %scan3A_62, %mul3A_63 : i32
      %add3A_65 = arith.constant 0 : i32
      %add3A_66 = arith.addi %add3A_65, %mul3A_64 : i32
      %mul3A_67 = arith.constant 4 : i32
      %mul3A_68 = arith.muli %mul3A_67, %add3A_66 : i32
      %add3A_69 = arith.constant 0 : i32
      %add3A_70 = arith.addi %mul3A_68, %add3A_69 : i32
      %dma_wait3A_71 = arith.constant 0 : i32
      %dma_wait3A_72 = tpu.memref_slice %arg5[%dma_wait3A_71] : memref<2048xi32, #tpu.memory_space<vmem>> -> memref<32xi32, #tpu.memory_space<vmem>>
      %dma_wait3A_73 = arith.constant 0 : i32
      %dma_wait3A_74 = arith.constant 0 : i32
      %dma_wait3A_75 = tpu.memref_slice %arg2[%dma_wait3A_73, %dma_wait3A_74] : memref<65536x768xf32, #tpu.memory_space<hbm>> -> memref<65536x768xf32, #tpu.memory_space<hbm>>
      tpu.wait_indirect_dma semaphore(%arg10 : memref<!tpu.dma_semaphore, #tpu.memory_space<semaphore_mem>>) src(%dma_wait3A_75 : memref<65536x768xf32, #tpu.memory_space<hbm>>) dst(%arg6 : memref<32x768xf32, #tpu.memory_space<vmem>>)
      %gt3A = arith.constant 0 : i32
      %gt3A_76 = arith.cmpi sgt, %add3A_66, %gt3A : i32
      %convert_element_type3A = arith.extui %gt3A_76 : i1 to i32
      %cond3A = arith.constant 0 : i32
      %cond3A_77 = arith.cmpi ne, %convert_element_type3A, %cond3A : i32
      scf.if %cond3A_77 {
        %dma_wait3A_172 = arith.constant 0 : i32
        %dma_wait3A_173 = tpu.memref_slice %arg4[%mul3A_2, %dma_wait3A_172] : memref<65536x768xf32, #tpu.memory_space<hbm>> -> memref<32x768xf32, #tpu.memory_space<hbm>>
        %dma_wait3A_174 = arith.constant 0 : i32
        %dma_wait3A_175 = tpu.memref_slice %arg4[%mul3A_2, %dma_wait3A_174] : memref<65536x768xf32, #tpu.memory_space<hbm>> -> memref<32x768xf32, #tpu.memory_space<hbm>>
        tpu.wait_dma2 semaphore(%arg16 : memref<!tpu.dma_semaphore, #tpu.memory_space<semaphore_mem>>) src(%arg8 : memref<32x768xf32, #tpu.memory_space<vmem>>) dst(%dma_wait3A_175 : memref<32x768xf32, #tpu.memory_space<hbm>>)
      } else {
      }
      %add3A_78 = arith.constant 2 : i32
      %add3A_79 = arith.addi %add3A_70, %add3A_78 : i32
      %mul3A_80 = arith.constant 32 : i32
      %mul3A_81 = arith.muli %add3A_79, %mul3A_80 : i32
      %dma_start3A_82 = tpu.memref_slice %arg5[%mul3A_81] : memref<2048xi32, #tpu.memory_space<vmem>> -> memref<32xi32, #tpu.memory_space<vmem>>
      %dma_start3A_83 = arith.constant 0 : i32
      %dma_start3A_84 = arith.constant 0 : i32
      %dma_start3A_85 = tpu.memref_slice %arg2[%dma_start3A_83, %dma_start3A_84] : memref<65536x768xf32, #tpu.memory_space<hbm>> -> memref<65536x768xf32, #tpu.memory_space<hbm>>
      tpu.enqueue_indirect_dma source(%dma_start3A_85 : memref<65536x768xf32, #tpu.memory_space<hbm>>) target(%arg8 : memref<32x768xf32, #tpu.memory_space<vmem>>) offsets(%dma_start3A_82 : memref<32xi32, #tpu.memory_space<vmem>>) semaphore(%arg12 : memref<!tpu.dma_semaphore, #tpu.memory_space<semaphore_mem>>)
      %mul3A_86 = arith.constant 32 : i32
      %mul3A_87 = arith.muli %add3A_70, %mul3A_86 : i32
      %add3A_88 = arith.addi %mul3A_2, %mul3A_87 : i32
      %dma_start3A_89 = arith.constant 0 : i32
      %dma_start3A_90 = tpu.memref_slice %arg4[%add3A_88, %dma_start3A_89] : memref<65536x768xf32, #tpu.memory_space<hbm>> -> memref<32x768xf32, #tpu.memory_space<hbm>>
      %dma_start3A_91 = arith.constant 0 : i32
      %dma_start3A_92 = tpu.memref_slice %arg4[%add3A_88, %dma_start3A_91] : memref<65536x768xf32, #tpu.memory_space<hbm>> -> memref<32x768xf32, #tpu.memory_space<hbm>>
      tpu.enqueue_dma source(%arg6 : memref<32x768xf32, #tpu.memory_space<vmem>>) target(%dma_start3A_92 : memref<32x768xf32, #tpu.memory_space<hbm>>) target_semaphore(%arg14 : memref<!tpu.dma_semaphore, #tpu.memory_space<semaphore_mem>>)
      %mul3A_93 = arith.constant 4 : i32
      %mul3A_94 = arith.muli %mul3A_93, %add3A_66 : i32
      %add3A_95 = arith.constant 1 : i32
      %add3A_96 = arith.addi %mul3A_94, %add3A_95 : i32
      %dma_wait3A_97 = arith.constant 0 : i32
      %dma_wait3A_98 = tpu.memref_slice %arg5[%dma_wait3A_97] : memref<2048xi32, #tpu.memory_space<vmem>> -> memref<32xi32, #tpu.memory_space<vmem>>
      %dma_wait3A_99 = arith.constant 0 : i32
      %dma_wait3A_100 = arith.constant 0 : i32
      %dma_wait3A_101 = tpu.memref_slice %arg2[%dma_wait3A_99, %dma_wait3A_100] : memref<65536x768xf32, #tpu.memory_space<hbm>> -> memref<65536x768xf32, #tpu.memory_space<hbm>>
      tpu.wait_indirect_dma semaphore(%arg11 : memref<!tpu.dma_semaphore, #tpu.memory_space<semaphore_mem>>) src(%dma_wait3A_101 : memref<65536x768xf32, #tpu.memory_space<hbm>>) dst(%arg7 : memref<32x768xf32, #tpu.memory_space<vmem>>)
      %gt3A_102 = arith.constant 0 : i32
      %gt3A_103 = arith.cmpi sgt, %add3A_66, %gt3A_102 : i32
      %convert_element_type3A_104 = arith.extui %gt3A_103 : i1 to i32
      %cond3A_105 = arith.constant 0 : i32
      %cond3A_106 = arith.cmpi ne, %convert_element_type3A_104, %cond3A_105 : i32
      scf.if %cond3A_106 {
        %dma_wait3A_172 = arith.constant 0 : i32
        %dma_wait3A_173 = tpu.memref_slice %arg4[%mul3A_2, %dma_wait3A_172] : memref<65536x768xf32, #tpu.memory_space<hbm>> -> memref<32x768xf32, #tpu.memory_space<hbm>>
        %dma_wait3A_174 = arith.constant 0 : i32
        %dma_wait3A_175 = tpu.memref_slice %arg4[%mul3A_2, %dma_wait3A_174] : memref<65536x768xf32, #tpu.memory_space<hbm>> -> memref<32x768xf32, #tpu.memory_space<hbm>>
        tpu.wait_dma2 semaphore(%arg17 : memref<!tpu.dma_semaphore, #tpu.memory_space<semaphore_mem>>) src(%arg9 : memref<32x768xf32, #tpu.memory_space<vmem>>) dst(%dma_wait3A_175 : memref<32x768xf32, #tpu.memory_space<hbm>>)
      } else {
      }
      %add3A_107 = arith.constant 2 : i32
      %add3A_108 = arith.addi %add3A_96, %add3A_107 : i32
      %mul3A_109 = arith.constant 32 : i32
      %mul3A_110 = arith.muli %add3A_108, %mul3A_109 : i32
      %dma_start3A_111 = tpu.memref_slice %arg5[%mul3A_110] : memref<2048xi32, #tpu.memory_space<vmem>> -> memref<32xi32, #tpu.memory_space<vmem>>
      %dma_start3A_112 = arith.constant 0 : i32
      %dma_start3A_113 = arith.constant 0 : i32
      %dma_start3A_114 = tpu.memref_slice %arg2[%dma_start3A_112, %dma_start3A_113] : memref<65536x768xf32, #tpu.memory_space<hbm>> -> memref<65536x768xf32, #tpu.memory_space<hbm>>
      tpu.enqueue_indirect_dma source(%dma_start3A_114 : memref<65536x768xf32, #tpu.memory_space<hbm>>) target(%arg9 : memref<32x768xf32, #tpu.memory_space<vmem>>) offsets(%dma_start3A_111 : memref<32xi32, #tpu.memory_space<vmem>>) semaphore(%arg13 : memref<!tpu.dma_semaphore, #tpu.memory_space<semaphore_mem>>)
      %mul3A_115 = arith.constant 32 : i32
      %mul3A_116 = arith.muli %add3A_96, %mul3A_115 : i32
      %add3A_117 = arith.addi %mul3A_2, %mul3A_116 : i32
      %dma_start3A_118 = arith.constant 0 : i32
      %dma_start3A_119 = tpu.memref_slice %arg4[%add3A_117, %dma_start3A_118] : memref<65536x768xf32, #tpu.memory_space<hbm>> -> memref<32x768xf32, #tpu.memory_space<hbm>>
      %dma_start3A_120 = arith.constant 0 : i32
      %dma_start3A_121 = tpu.memref_slice %arg4[%add3A_117, %dma_start3A_120] : memref<65536x768xf32, #tpu.memory_space<hbm>> -> memref<32x768xf32, #tpu.memory_space<hbm>>
      tpu.enqueue_dma source(%arg7 : memref<32x768xf32, #tpu.memory_space<vmem>>) target(%dma_start3A_121 : memref<32x768xf32, #tpu.memory_space<hbm>>) target_semaphore(%arg15 : memref<!tpu.dma_semaphore, #tpu.memory_space<semaphore_mem>>)
      %mul3A_122 = arith.constant 4 : i32
      %mul3A_123 = arith.muli %mul3A_122, %add3A_66 : i32
      %add3A_124 = arith.constant 2 : i32
      %add3A_125 = arith.addi %mul3A_123, %add3A_124 : i32
      %dma_wait3A_126 = arith.constant 0 : i32
      %dma_wait3A_127 = tpu.memref_slice %arg5[%dma_wait3A_126] : memref<2048xi32, #tpu.memory_space<vmem>> -> memref<32xi32, #tpu.memory_space<vmem>>
      %dma_wait3A_128 = arith.constant 0 : i32
      %dma_wait3A_129 = arith.constant 0 : i32
      %dma_wait3A_130 = tpu.memref_slice %arg2[%dma_wait3A_128, %dma_wait3A_129] : memref<65536x768xf32, #tpu.memory_space<hbm>> -> memref<65536x768xf32, #tpu.memory_space<hbm>>
      tpu.wait_indirect_dma semaphore(%arg12 : memref<!tpu.dma_semaphore, #tpu.memory_space<semaphore_mem>>) src(%dma_wait3A_130 : memref<65536x768xf32, #tpu.memory_space<hbm>>) dst(%arg8 : memref<32x768xf32, #tpu.memory_space<vmem>>)
      %dma_wait3A_131 = arith.constant 0 : i32
      %dma_wait3A_132 = tpu.memref_slice %arg4[%mul3A_2, %dma_wait3A_131] : memref<65536x768xf32, #tpu.memory_space<hbm>> -> memref<32x768xf32, #tpu.memory_space<hbm>>
      %dma_wait3A_133 = arith.constant 0 : i32
      %dma_wait3A_134 = tpu.memref_slice %arg4[%mul3A_2, %dma_wait3A_133] : memref<65536x768xf32, #tpu.memory_space<hbm>> -> memref<32x768xf32, #tpu.memory_space<hbm>>
      tpu.wait_dma2 semaphore(%arg14 : memref<!tpu.dma_semaphore, #tpu.memory_space<semaphore_mem>>) src(%arg6 : memref<32x768xf32, #tpu.memory_space<vmem>>) dst(%dma_wait3A_134 : memref<32x768xf32, #tpu.memory_space<hbm>>)
      %lt3A_135 = arith.constant 15 : i32
      %lt3A_136 = arith.cmpi slt, %add3A_66, %lt3A_135 : i32
      %convert_element_type3A_137 = arith.extui %lt3A_136 : i1 to i32
      %cond3A_138 = arith.constant 0 : i32
      %cond3A_139 = arith.cmpi ne, %convert_element_type3A_137, %cond3A_138 : i32
      scf.if %cond3A_139 {
        %add3A_172 = arith.constant 2 : i32
        %add3A_173 = arith.addi %add3A_125, %add3A_172 : i32
        %mul3A_174 = arith.constant 32 : i32
        %mul3A_175 = arith.muli %add3A_173, %mul3A_174 : i32
        %dma_start3A_176 = tpu.memref_slice %arg5[%mul3A_175] : memref<2048xi32, #tpu.memory_space<vmem>> -> memref<32xi32, #tpu.memory_space<vmem>>
        %dma_start3A_177 = arith.constant 0 : i32
        %dma_start3A_178 = arith.constant 0 : i32
        %dma_start3A_179 = tpu.memref_slice %arg2[%dma_start3A_177, %dma_start3A_178] : memref<65536x768xf32, #tpu.memory_space<hbm>> -> memref<65536x768xf32, #tpu.memory_space<hbm>>
        tpu.enqueue_indirect_dma source(%dma_start3A_179 : memref<65536x768xf32, #tpu.memory_space<hbm>>) target(%arg6 : memref<32x768xf32, #tpu.memory_space<vmem>>) offsets(%dma_start3A_176 : memref<32xi32, #tpu.memory_space<vmem>>) semaphore(%arg10 : memref<!tpu.dma_semaphore, #tpu.memory_space<semaphore_mem>>)
      } else {
      }
      %mul3A_140 = arith.constant 32 : i32
      %mul3A_141 = arith.muli %add3A_125, %mul3A_140 : i32
      %add3A_142 = arith.addi %mul3A_2, %mul3A_141 : i32
      %dma_start3A_143 = arith.constant 0 : i32
      %dma_start3A_144 = tpu.memref_slice %arg4[%add3A_142, %dma_start3A_143] : memref<65536x768xf32, #tpu.memory_space<hbm>> -> memref<32x768xf32, #tpu.memory_space<hbm>>
      %dma_start3A_145 = arith.constant 0 : i32
      %dma_start3A_146 = tpu.memref_slice %arg4[%add3A_142, %dma_start3A_145] : memref<65536x768xf32, #tpu.memory_space<hbm>> -> memref<32x768xf32, #tpu.memory_space<hbm>>
      tpu.enqueue_dma source(%arg8 : memref<32x768xf32, #tpu.memory_space<vmem>>) target(%dma_start3A_146 : memref<32x768xf32, #tpu.memory_space<hbm>>) target_semaphore(%arg16 : memref<!tpu.dma_semaphore, #tpu.memory_space<semaphore_mem>>)
      %mul3A_147 = arith.constant 4 : i32
      %mul3A_148 = arith.muli %mul3A_147, %add3A_66 : i32
      %add3A_149 = arith.constant 3 : i32
      %add3A_150 = arith.addi %mul3A_148, %add3A_149 : i32
      %dma_wait3A_151 = arith.constant 0 : i32
      %dma_wait3A_152 = tpu.memref_slice %arg5[%dma_wait3A_151] : memref<2048xi32, #tpu.memory_space<vmem>> -> memref<32xi32, #tpu.memory_space<vmem>>
      %dma_wait3A_153 = arith.constant 0 : i32
      %dma_wait3A_154 = arith.constant 0 : i32
      %dma_wait3A_155 = tpu.memref_slice %arg2[%dma_wait3A_153, %dma_wait3A_154] : memref<65536x768xf32, #tpu.memory_space<hbm>> -> memref<65536x768xf32, #tpu.memory_space<hbm>>
      tpu.wait_indirect_dma semaphore(%arg13 : memref<!tpu.dma_semaphore, #tpu.memory_space<semaphore_mem>>) src(%dma_wait3A_155 : memref<65536x768xf32, #tpu.memory_space<hbm>>) dst(%arg9 : memref<32x768xf32, #tpu.memory_space<vmem>>)
      %dma_wait3A_156 = arith.constant 0 : i32
      %dma_wait3A_157 = tpu.memref_slice %arg4[%mul3A_2, %dma_wait3A_156] : memref<65536x768xf32, #tpu.memory_space<hbm>> -> memref<32x768xf32, #tpu.memory_space<hbm>>
      %dma_wait3A_158 = arith.constant 0 : i32
      %dma_wait3A_159 = tpu.memref_slice %arg4[%mul3A_2, %dma_wait3A_158] : memref<65536x768xf32, #tpu.memory_space<hbm>> -> memref<32x768xf32, #tpu.memory_space<hbm>>
      tpu.wait_dma2 semaphore(%arg15 : memref<!tpu.dma_semaphore, #tpu.memory_space<semaphore_mem>>) src(%arg7 : memref<32x768xf32, #tpu.memory_space<vmem>>) dst(%dma_wait3A_159 : memref<32x768xf32, #tpu.memory_space<hbm>>)
      %lt3A_160 = arith.constant 15 : i32
      %lt3A_161 = arith.cmpi slt, %add3A_66, %lt3A_160 : i32
      %convert_element_type3A_162 = arith.extui %lt3A_161 : i1 to i32
      %cond3A_163 = arith.constant 0 : i32
      %cond3A_164 = arith.cmpi ne, %convert_element_type3A_162, %cond3A_163 : i32
      scf.if %cond3A_164 {
        %add3A_172 = arith.constant 2 : i32
        %add3A_173 = arith.addi %add3A_150, %add3A_172 : i32
        %mul3A_174 = arith.constant 32 : i32
        %mul3A_175 = arith.muli %add3A_173, %mul3A_174 : i32
        %dma_start3A_176 = tpu.memref_slice %arg5[%mul3A_175] : memref<2048xi32, #tpu.memory_space<vmem>> -> memref<32xi32, #tpu.memory_space<vmem>>
        %dma_start3A_177 = arith.constant 0 : i32
        %dma_start3A_178 = arith.constant 0 : i32
        %dma_start3A_179 = tpu.memref_slice %arg2[%dma_start3A_177, %dma_start3A_178] : memref<65536x768xf32, #tpu.memory_space<hbm>> -> memref<65536x768xf32, #tpu.memory_space<hbm>>
        tpu.enqueue_indirect_dma source(%dma_start3A_179 : memref<65536x768xf32, #tpu.memory_space<hbm>>) target(%arg7 : memref<32x768xf32, #tpu.memory_space<vmem>>) offsets(%dma_start3A_176 : memref<32xi32, #tpu.memory_space<vmem>>) semaphore(%arg11 : memref<!tpu.dma_semaphore, #tpu.memory_space<semaphore_mem>>)
      } else {
      }
      %mul3A_165 = arith.constant 32 : i32
      %mul3A_166 = arith.muli %add3A_150, %mul3A_165 : i32
      %add3A_167 = arith.addi %mul3A_2, %mul3A_166 : i32
      %dma_start3A_168 = arith.constant 0 : i32
      %dma_start3A_169 = tpu.memref_slice %arg4[%add3A_167, %dma_start3A_168] : memref<65536x768xf32, #tpu.memory_space<hbm>> -> memref<32x768xf32, #tpu.memory_space<hbm>>
      %dma_start3A_170 = arith.constant 0 : i32
      %dma_start3A_171 = tpu.memref_slice %arg4[%add3A_167, %dma_start3A_170] : memref<65536x768xf32, #tpu.memory_space<hbm>> -> memref<32x768xf32, #tpu.memory_space<hbm>>
      tpu.enqueue_dma source(%arg9 : memref<32x768xf32, #tpu.memory_space<vmem>>) target(%dma_start3A_171 : memref<32x768xf32, #tpu.memory_space<hbm>>) target_semaphore(%arg17 : memref<!tpu.dma_semaphore, #tpu.memory_space<semaphore_mem>>)
    }
    %scan3A_54 = arith.constant 16 : i32
    %dma_wait3A = arith.constant 0 : i32
    %dma_wait3A_55 = tpu.memref_slice %arg4[%mul3A_2, %dma_wait3A] : memref<65536x768xf32, #tpu.memory_space<hbm>> -> memref<32x768xf32, #tpu.memory_space<hbm>>
    %dma_wait3A_56 = arith.constant 0 : i32
    %dma_wait3A_57 = tpu.memref_slice %arg4[%mul3A_2, %dma_wait3A_56] : memref<65536x768xf32, #tpu.memory_space<hbm>> -> memref<32x768xf32, #tpu.memory_space<hbm>>
    tpu.wait_dma2 semaphore(%arg16 : memref<!tpu.dma_semaphore, #tpu.memory_space<semaphore_mem>>) src(%arg8 : memref<32x768xf32, #tpu.memory_space<vmem>>) dst(%dma_wait3A_57 : memref<32x768xf32, #tpu.memory_space<hbm>>)
    %dma_wait3A_58 = arith.constant 0 : i32
    %dma_wait3A_59 = tpu.memref_slice %arg4[%mul3A_2, %dma_wait3A_58] : memref<65536x768xf32, #tpu.memory_space<hbm>> -> memref<32x768xf32, #tpu.memory_space<hbm>>
    %dma_wait3A_60 = arith.constant 0 : i32
    %dma_wait3A_61 = tpu.memref_slice %arg4[%mul3A_2, %dma_wait3A_60] : memref<65536x768xf32, #tpu.memory_space<hbm>> -> memref<32x768xf32, #tpu.memory_space<hbm>>
    tpu.wait_dma2 semaphore(%arg17 : memref<!tpu.dma_semaphore, #tpu.memory_space<semaphore_mem>>) src(%arg9 : memref<32x768xf32, #tpu.memory_space<vmem>>) dst(%dma_wait3A_61 : memref<32x768xf32, #tpu.memory_space<hbm>>)
    return
  }
}

module attributes {stable_mosaic.version = 14 : i64} {
  func.func @_argsort_body(%arg0: memref<1x4096xf32, #tpu.memory_space<vmem>>, %arg1: memref<4096x1xf32, #tpu.memory_space<vmem>>, %arg2: memref<4096x1xi32, #tpu.memory_space<vmem>>) attributes {dimension_semantics = [], scalar_prefetch = 0 : i64, scratch_operands = 0 : i64, tpu.core_type = #tpu.core_type<tc>} {
    %get3A = arith.constant 0 : index
    %get3A_0 = arith.constant 0 : index
    %get3A_1 = vector.load %arg0[%get3A, %get3A_0] : memref<1x4096xf32, #tpu.memory_space<vmem>>, vector<1x4096xf32>
    %iota3A = tpu.iota {dimensions = array<i32: 1>} : vector<1x4096xi32>
    %broadcast_in_dim3A = arith.constant 1.000000e+00 : f32
    %broadcast_in_dim3A_2 = vector.broadcast %broadcast_in_dim3A : f32 to vector<8x256xf32>
    %broadcast_in_dim3A_3 = arith.constant 0.000000e+00 : f32
    %broadcast_in_dim3A_4 = vector.broadcast %broadcast_in_dim3A_3 : f32 to vector<1x4096xf32>
    %get3A_5 = arith.constant 0 : index
    %get3A_6 = arith.constant 0 : index
    %get3A_7 = vector.load %arg1[%get3A_5, %get3A_6] : memref<4096x1xf32, #tpu.memory_space<vmem>>, vector<256x1xf32>
    %iota3A_8 = tpu.iota {dimensions = array<i32: 0>} : vector<256x1xi32>
    %add3A = arith.constant 0 : i32
    %add3A_9 = vector.broadcast %add3A : i32 to vector<256x1xi32>
    %add3A_10 = arith.addi %add3A_9, %iota3A_8 : vector<256x1xi32>
    %lt3A = vector.broadcast %get3A_7 : vector<256x1xf32> to vector<256x4096xf32>
    %lt3A_11 = vector.broadcast %get3A_1 : vector<1x4096xf32> to vector<256x4096xf32>
    %lt3A_12 = arith.cmpf olt, %lt3A, %lt3A_11 : vector<256x4096xf32>
    %eq3A = vector.broadcast %get3A_7 : vector<256x1xf32> to vector<256x4096xf32>
    %eq3A_13 = vector.broadcast %get3A_1 : vector<1x4096xf32> to vector<256x4096xf32>
    %eq3A_14 = arith.cmpf oeq, %eq3A, %eq3A_13 : vector<256x4096xf32>
    %lt3A_15 = vector.broadcast %add3A_10 : vector<256x1xi32> to vector<256x4096xi32>
    %lt3A_16 = vector.broadcast %iota3A : vector<1x4096xi32> to vector<256x4096xi32>
    %lt3A_17 = arith.cmpi slt, %lt3A_15, %lt3A_16 : vector<256x4096xi32>
    %and3A = arith.andi %eq3A_14, %lt3A_17 : vector<256x4096xi1>
    %or3A = arith.ori %lt3A_12, %and3A : vector<256x4096xi1>
    %convert_element_type3A = arith.extui %or3A : vector<256x4096xi1> to vector<256x4096xi32>
    %convert_element_type3A_18 = arith.sitofp %convert_element_type3A : vector<256x4096xi32> to vector<256x4096xf32>
    %dot_general3A = arith.constant dense<0.000000e+00> : vector<8x4096xf32>
    %dot_general3A_19 = tpu.matmul %broadcast_in_dim3A_2, %convert_element_type3A_18, %dot_general3A {dimension_numbers = #tpu.dot_dimension_numbers<[1], [0], [0], [1], [0, 0, 1, 1], [], []>, transpose_lhs_hint = false} : vector<8x256xf32>, vector<256x4096xf32>, vector<8x4096xf32> -> vector<8x4096xf32>
    %slice3A = vector.extract_strided_slice %dot_general3A_19 {offsets = [0, 0], sizes = [1, 4096], strides = [1, 1]} : vector<8x4096xf32> to vector<1x4096xf32>
    %add3A_20 = arith.addf %broadcast_in_dim3A_4, %slice3A : vector<1x4096xf32>
    %get3A_21 = arith.constant 256 : index
    %get3A_22 = arith.constant 0 : index
    %get3A_23 = vector.load %arg1[%get3A_21, %get3A_22] : memref<4096x1xf32, #tpu.memory_space<vmem>>, vector<256x1xf32>
    %iota3A_24 = tpu.iota {dimensions = array<i32: 0>} : vector<256x1xi32>
    %add3A_25 = arith.constant 256 : i32
    %add3A_26 = vector.broadcast %add3A_25 : i32 to vector<256x1xi32>
    %add3A_27 = arith.addi %add3A_26, %iota3A_24 : vector<256x1xi32>
    %lt3A_28 = vector.broadcast %get3A_23 : vector<256x1xf32> to vector<256x4096xf32>
    %lt3A_29 = vector.broadcast %get3A_1 : vector<1x4096xf32> to vector<256x4096xf32>
    %lt3A_30 = arith.cmpf olt, %lt3A_28, %lt3A_29 : vector<256x4096xf32>
    %eq3A_31 = vector.broadcast %get3A_23 : vector<256x1xf32> to vector<256x4096xf32>
    %eq3A_32 = vector.broadcast %get3A_1 : vector<1x4096xf32> to vector<256x4096xf32>
    %eq3A_33 = arith.cmpf oeq, %eq3A_31, %eq3A_32 : vector<256x4096xf32>
    %lt3A_34 = vector.broadcast %add3A_27 : vector<256x1xi32> to vector<256x4096xi32>
    %lt3A_35 = vector.broadcast %iota3A : vector<1x4096xi32> to vector<256x4096xi32>
    %lt3A_36 = arith.cmpi slt, %lt3A_34, %lt3A_35 : vector<256x4096xi32>
    %and3A_37 = arith.andi %eq3A_33, %lt3A_36 : vector<256x4096xi1>
    %or3A_38 = arith.ori %lt3A_30, %and3A_37 : vector<256x4096xi1>
    %convert_element_type3A_39 = arith.extui %or3A_38 : vector<256x4096xi1> to vector<256x4096xi32>
    %convert_element_type3A_40 = arith.sitofp %convert_element_type3A_39 : vector<256x4096xi32> to vector<256x4096xf32>
    %dot_general3A_41 = arith.constant dense<0.000000e+00> : vector<8x4096xf32>
    %dot_general3A_42 = tpu.matmul %broadcast_in_dim3A_2, %convert_element_type3A_40, %dot_general3A_41 {dimension_numbers = #tpu.dot_dimension_numbers<[1], [0], [0], [1], [0, 0, 1, 1], [], []>, transpose_lhs_hint = false} : vector<8x256xf32>, vector<256x4096xf32>, vector<8x4096xf32> -> vector<8x4096xf32>
    %slice3A_43 = vector.extract_strided_slice %dot_general3A_42 {offsets = [0, 0], sizes = [1, 4096], strides = [1, 1]} : vector<8x4096xf32> to vector<1x4096xf32>
    %add3A_44 = arith.addf %add3A_20, %slice3A_43 : vector<1x4096xf32>
    %get3A_45 = arith.constant 512 : index
    %get3A_46 = arith.constant 0 : index
    %get3A_47 = vector.load %arg1[%get3A_45, %get3A_46] : memref<4096x1xf32, #tpu.memory_space<vmem>>, vector<256x1xf32>
    %iota3A_48 = tpu.iota {dimensions = array<i32: 0>} : vector<256x1xi32>
    %add3A_49 = arith.constant 512 : i32
    %add3A_50 = vector.broadcast %add3A_49 : i32 to vector<256x1xi32>
    %add3A_51 = arith.addi %add3A_50, %iota3A_48 : vector<256x1xi32>
    %lt3A_52 = vector.broadcast %get3A_47 : vector<256x1xf32> to vector<256x4096xf32>
    %lt3A_53 = vector.broadcast %get3A_1 : vector<1x4096xf32> to vector<256x4096xf32>
    %lt3A_54 = arith.cmpf olt, %lt3A_52, %lt3A_53 : vector<256x4096xf32>
    %eq3A_55 = vector.broadcast %get3A_47 : vector<256x1xf32> to vector<256x4096xf32>
    %eq3A_56 = vector.broadcast %get3A_1 : vector<1x4096xf32> to vector<256x4096xf32>
    %eq3A_57 = arith.cmpf oeq, %eq3A_55, %eq3A_56 : vector<256x4096xf32>
    %lt3A_58 = vector.broadcast %add3A_51 : vector<256x1xi32> to vector<256x4096xi32>
    %lt3A_59 = vector.broadcast %iota3A : vector<1x4096xi32> to vector<256x4096xi32>
    %lt3A_60 = arith.cmpi slt, %lt3A_58, %lt3A_59 : vector<256x4096xi32>
    %and3A_61 = arith.andi %eq3A_57, %lt3A_60 : vector<256x4096xi1>
    %or3A_62 = arith.ori %lt3A_54, %and3A_61 : vector<256x4096xi1>
    %convert_element_type3A_63 = arith.extui %or3A_62 : vector<256x4096xi1> to vector<256x4096xi32>
    %convert_element_type3A_64 = arith.sitofp %convert_element_type3A_63 : vector<256x4096xi32> to vector<256x4096xf32>
    %dot_general3A_65 = arith.constant dense<0.000000e+00> : vector<8x4096xf32>
    %dot_general3A_66 = tpu.matmul %broadcast_in_dim3A_2, %convert_element_type3A_64, %dot_general3A_65 {dimension_numbers = #tpu.dot_dimension_numbers<[1], [0], [0], [1], [0, 0, 1, 1], [], []>, transpose_lhs_hint = false} : vector<8x256xf32>, vector<256x4096xf32>, vector<8x4096xf32> -> vector<8x4096xf32>
    %slice3A_67 = vector.extract_strided_slice %dot_general3A_66 {offsets = [0, 0], sizes = [1, 4096], strides = [1, 1]} : vector<8x4096xf32> to vector<1x4096xf32>
    %add3A_68 = arith.addf %add3A_44, %slice3A_67 : vector<1x4096xf32>
    %get3A_69 = arith.constant 768 : index
    %get3A_70 = arith.constant 0 : index
    %get3A_71 = vector.load %arg1[%get3A_69, %get3A_70] : memref<4096x1xf32, #tpu.memory_space<vmem>>, vector<256x1xf32>
    %iota3A_72 = tpu.iota {dimensions = array<i32: 0>} : vector<256x1xi32>
    %add3A_73 = arith.constant 768 : i32
    %add3A_74 = vector.broadcast %add3A_73 : i32 to vector<256x1xi32>
    %add3A_75 = arith.addi %add3A_74, %iota3A_72 : vector<256x1xi32>
    %lt3A_76 = vector.broadcast %get3A_71 : vector<256x1xf32> to vector<256x4096xf32>
    %lt3A_77 = vector.broadcast %get3A_1 : vector<1x4096xf32> to vector<256x4096xf32>
    %lt3A_78 = arith.cmpf olt, %lt3A_76, %lt3A_77 : vector<256x4096xf32>
    %eq3A_79 = vector.broadcast %get3A_71 : vector<256x1xf32> to vector<256x4096xf32>
    %eq3A_80 = vector.broadcast %get3A_1 : vector<1x4096xf32> to vector<256x4096xf32>
    %eq3A_81 = arith.cmpf oeq, %eq3A_79, %eq3A_80 : vector<256x4096xf32>
    %lt3A_82 = vector.broadcast %add3A_75 : vector<256x1xi32> to vector<256x4096xi32>
    %lt3A_83 = vector.broadcast %iota3A : vector<1x4096xi32> to vector<256x4096xi32>
    %lt3A_84 = arith.cmpi slt, %lt3A_82, %lt3A_83 : vector<256x4096xi32>
    %and3A_85 = arith.andi %eq3A_81, %lt3A_84 : vector<256x4096xi1>
    %or3A_86 = arith.ori %lt3A_78, %and3A_85 : vector<256x4096xi1>
    %convert_element_type3A_87 = arith.extui %or3A_86 : vector<256x4096xi1> to vector<256x4096xi32>
    %convert_element_type3A_88 = arith.sitofp %convert_element_type3A_87 : vector<256x4096xi32> to vector<256x4096xf32>
    %dot_general3A_89 = arith.constant dense<0.000000e+00> : vector<8x4096xf32>
    %dot_general3A_90 = tpu.matmul %broadcast_in_dim3A_2, %convert_element_type3A_88, %dot_general3A_89 {dimension_numbers = #tpu.dot_dimension_numbers<[1], [0], [0], [1], [0, 0, 1, 1], [], []>, transpose_lhs_hint = false} : vector<8x256xf32>, vector<256x4096xf32>, vector<8x4096xf32> -> vector<8x4096xf32>
    %slice3A_91 = vector.extract_strided_slice %dot_general3A_90 {offsets = [0, 0], sizes = [1, 4096], strides = [1, 1]} : vector<8x4096xf32> to vector<1x4096xf32>
    %add3A_92 = arith.addf %add3A_68, %slice3A_91 : vector<1x4096xf32>
    %get3A_93 = arith.constant 1024 : index
    %get3A_94 = arith.constant 0 : index
    %get3A_95 = vector.load %arg1[%get3A_93, %get3A_94] : memref<4096x1xf32, #tpu.memory_space<vmem>>, vector<256x1xf32>
    %iota3A_96 = tpu.iota {dimensions = array<i32: 0>} : vector<256x1xi32>
    %add3A_97 = arith.constant 1024 : i32
    %add3A_98 = vector.broadcast %add3A_97 : i32 to vector<256x1xi32>
    %add3A_99 = arith.addi %add3A_98, %iota3A_96 : vector<256x1xi32>
    %lt3A_100 = vector.broadcast %get3A_95 : vector<256x1xf32> to vector<256x4096xf32>
    %lt3A_101 = vector.broadcast %get3A_1 : vector<1x4096xf32> to vector<256x4096xf32>
    %lt3A_102 = arith.cmpf olt, %lt3A_100, %lt3A_101 : vector<256x4096xf32>
    %eq3A_103 = vector.broadcast %get3A_95 : vector<256x1xf32> to vector<256x4096xf32>
    %eq3A_104 = vector.broadcast %get3A_1 : vector<1x4096xf32> to vector<256x4096xf32>
    %eq3A_105 = arith.cmpf oeq, %eq3A_103, %eq3A_104 : vector<256x4096xf32>
    %lt3A_106 = vector.broadcast %add3A_99 : vector<256x1xi32> to vector<256x4096xi32>
    %lt3A_107 = vector.broadcast %iota3A : vector<1x4096xi32> to vector<256x4096xi32>
    %lt3A_108 = arith.cmpi slt, %lt3A_106, %lt3A_107 : vector<256x4096xi32>
    %and3A_109 = arith.andi %eq3A_105, %lt3A_108 : vector<256x4096xi1>
    %or3A_110 = arith.ori %lt3A_102, %and3A_109 : vector<256x4096xi1>
    %convert_element_type3A_111 = arith.extui %or3A_110 : vector<256x4096xi1> to vector<256x4096xi32>
    %convert_element_type3A_112 = arith.sitofp %convert_element_type3A_111 : vector<256x4096xi32> to vector<256x4096xf32>
    %dot_general3A_113 = arith.constant dense<0.000000e+00> : vector<8x4096xf32>
    %dot_general3A_114 = tpu.matmul %broadcast_in_dim3A_2, %convert_element_type3A_112, %dot_general3A_113 {dimension_numbers = #tpu.dot_dimension_numbers<[1], [0], [0], [1], [0, 0, 1, 1], [], []>, transpose_lhs_hint = false} : vector<8x256xf32>, vector<256x4096xf32>, vector<8x4096xf32> -> vector<8x4096xf32>
    %slice3A_115 = vector.extract_strided_slice %dot_general3A_114 {offsets = [0, 0], sizes = [1, 4096], strides = [1, 1]} : vector<8x4096xf32> to vector<1x4096xf32>
    %add3A_116 = arith.addf %add3A_92, %slice3A_115 : vector<1x4096xf32>
    %get3A_117 = arith.constant 1280 : index
    %get3A_118 = arith.constant 0 : index
    %get3A_119 = vector.load %arg1[%get3A_117, %get3A_118] : memref<4096x1xf32, #tpu.memory_space<vmem>>, vector<256x1xf32>
    %iota3A_120 = tpu.iota {dimensions = array<i32: 0>} : vector<256x1xi32>
    %add3A_121 = arith.constant 1280 : i32
    %add3A_122 = vector.broadcast %add3A_121 : i32 to vector<256x1xi32>
    %add3A_123 = arith.addi %add3A_122, %iota3A_120 : vector<256x1xi32>
    %lt3A_124 = vector.broadcast %get3A_119 : vector<256x1xf32> to vector<256x4096xf32>
    %lt3A_125 = vector.broadcast %get3A_1 : vector<1x4096xf32> to vector<256x4096xf32>
    %lt3A_126 = arith.cmpf olt, %lt3A_124, %lt3A_125 : vector<256x4096xf32>
    %eq3A_127 = vector.broadcast %get3A_119 : vector<256x1xf32> to vector<256x4096xf32>
    %eq3A_128 = vector.broadcast %get3A_1 : vector<1x4096xf32> to vector<256x4096xf32>
    %eq3A_129 = arith.cmpf oeq, %eq3A_127, %eq3A_128 : vector<256x4096xf32>
    %lt3A_130 = vector.broadcast %add3A_123 : vector<256x1xi32> to vector<256x4096xi32>
    %lt3A_131 = vector.broadcast %iota3A : vector<1x4096xi32> to vector<256x4096xi32>
    %lt3A_132 = arith.cmpi slt, %lt3A_130, %lt3A_131 : vector<256x4096xi32>
    %and3A_133 = arith.andi %eq3A_129, %lt3A_132 : vector<256x4096xi1>
    %or3A_134 = arith.ori %lt3A_126, %and3A_133 : vector<256x4096xi1>
    %convert_element_type3A_135 = arith.extui %or3A_134 : vector<256x4096xi1> to vector<256x4096xi32>
    %convert_element_type3A_136 = arith.sitofp %convert_element_type3A_135 : vector<256x4096xi32> to vector<256x4096xf32>
    %dot_general3A_137 = arith.constant dense<0.000000e+00> : vector<8x4096xf32>
    %dot_general3A_138 = tpu.matmul %broadcast_in_dim3A_2, %convert_element_type3A_136, %dot_general3A_137 {dimension_numbers = #tpu.dot_dimension_numbers<[1], [0], [0], [1], [0, 0, 1, 1], [], []>, transpose_lhs_hint = false} : vector<8x256xf32>, vector<256x4096xf32>, vector<8x4096xf32> -> vector<8x4096xf32>
    %slice3A_139 = vector.extract_strided_slice %dot_general3A_138 {offsets = [0, 0], sizes = [1, 4096], strides = [1, 1]} : vector<8x4096xf32> to vector<1x4096xf32>
    %add3A_140 = arith.addf %add3A_116, %slice3A_139 : vector<1x4096xf32>
    %get3A_141 = arith.constant 1536 : index
    %get3A_142 = arith.constant 0 : index
    %get3A_143 = vector.load %arg1[%get3A_141, %get3A_142] : memref<4096x1xf32, #tpu.memory_space<vmem>>, vector<256x1xf32>
    %iota3A_144 = tpu.iota {dimensions = array<i32: 0>} : vector<256x1xi32>
    %add3A_145 = arith.constant 1536 : i32
    %add3A_146 = vector.broadcast %add3A_145 : i32 to vector<256x1xi32>
    %add3A_147 = arith.addi %add3A_146, %iota3A_144 : vector<256x1xi32>
    %lt3A_148 = vector.broadcast %get3A_143 : vector<256x1xf32> to vector<256x4096xf32>
    %lt3A_149 = vector.broadcast %get3A_1 : vector<1x4096xf32> to vector<256x4096xf32>
    %lt3A_150 = arith.cmpf olt, %lt3A_148, %lt3A_149 : vector<256x4096xf32>
    %eq3A_151 = vector.broadcast %get3A_143 : vector<256x1xf32> to vector<256x4096xf32>
    %eq3A_152 = vector.broadcast %get3A_1 : vector<1x4096xf32> to vector<256x4096xf32>
    %eq3A_153 = arith.cmpf oeq, %eq3A_151, %eq3A_152 : vector<256x4096xf32>
    %lt3A_154 = vector.broadcast %add3A_147 : vector<256x1xi32> to vector<256x4096xi32>
    %lt3A_155 = vector.broadcast %iota3A : vector<1x4096xi32> to vector<256x4096xi32>
    %lt3A_156 = arith.cmpi slt, %lt3A_154, %lt3A_155 : vector<256x4096xi32>
    %and3A_157 = arith.andi %eq3A_153, %lt3A_156 : vector<256x4096xi1>
    %or3A_158 = arith.ori %lt3A_150, %and3A_157 : vector<256x4096xi1>
    %convert_element_type3A_159 = arith.extui %or3A_158 : vector<256x4096xi1> to vector<256x4096xi32>
    %convert_element_type3A_160 = arith.sitofp %convert_element_type3A_159 : vector<256x4096xi32> to vector<256x4096xf32>
    %dot_general3A_161 = arith.constant dense<0.000000e+00> : vector<8x4096xf32>
    %dot_general3A_162 = tpu.matmul %broadcast_in_dim3A_2, %convert_element_type3A_160, %dot_general3A_161 {dimension_numbers = #tpu.dot_dimension_numbers<[1], [0], [0], [1], [0, 0, 1, 1], [], []>, transpose_lhs_hint = false} : vector<8x256xf32>, vector<256x4096xf32>, vector<8x4096xf32> -> vector<8x4096xf32>
    %slice3A_163 = vector.extract_strided_slice %dot_general3A_162 {offsets = [0, 0], sizes = [1, 4096], strides = [1, 1]} : vector<8x4096xf32> to vector<1x4096xf32>
    %add3A_164 = arith.addf %add3A_140, %slice3A_163 : vector<1x4096xf32>
    %get3A_165 = arith.constant 1792 : index
    %get3A_166 = arith.constant 0 : index
    %get3A_167 = vector.load %arg1[%get3A_165, %get3A_166] : memref<4096x1xf32, #tpu.memory_space<vmem>>, vector<256x1xf32>
    %iota3A_168 = tpu.iota {dimensions = array<i32: 0>} : vector<256x1xi32>
    %add3A_169 = arith.constant 1792 : i32
    %add3A_170 = vector.broadcast %add3A_169 : i32 to vector<256x1xi32>
    %add3A_171 = arith.addi %add3A_170, %iota3A_168 : vector<256x1xi32>
    %lt3A_172 = vector.broadcast %get3A_167 : vector<256x1xf32> to vector<256x4096xf32>
    %lt3A_173 = vector.broadcast %get3A_1 : vector<1x4096xf32> to vector<256x4096xf32>
    %lt3A_174 = arith.cmpf olt, %lt3A_172, %lt3A_173 : vector<256x4096xf32>
    %eq3A_175 = vector.broadcast %get3A_167 : vector<256x1xf32> to vector<256x4096xf32>
    %eq3A_176 = vector.broadcast %get3A_1 : vector<1x4096xf32> to vector<256x4096xf32>
    %eq3A_177 = arith.cmpf oeq, %eq3A_175, %eq3A_176 : vector<256x4096xf32>
    %lt3A_178 = vector.broadcast %add3A_171 : vector<256x1xi32> to vector<256x4096xi32>
    %lt3A_179 = vector.broadcast %iota3A : vector<1x4096xi32> to vector<256x4096xi32>
    %lt3A_180 = arith.cmpi slt, %lt3A_178, %lt3A_179 : vector<256x4096xi32>
    %and3A_181 = arith.andi %eq3A_177, %lt3A_180 : vector<256x4096xi1>
    %or3A_182 = arith.ori %lt3A_174, %and3A_181 : vector<256x4096xi1>
    %convert_element_type3A_183 = arith.extui %or3A_182 : vector<256x4096xi1> to vector<256x4096xi32>
    %convert_element_type3A_184 = arith.sitofp %convert_element_type3A_183 : vector<256x4096xi32> to vector<256x4096xf32>
    %dot_general3A_185 = arith.constant dense<0.000000e+00> : vector<8x4096xf32>
    %dot_general3A_186 = tpu.matmul %broadcast_in_dim3A_2, %convert_element_type3A_184, %dot_general3A_185 {dimension_numbers = #tpu.dot_dimension_numbers<[1], [0], [0], [1], [0, 0, 1, 1], [], []>, transpose_lhs_hint = false} : vector<8x256xf32>, vector<256x4096xf32>, vector<8x4096xf32> -> vector<8x4096xf32>
    %slice3A_187 = vector.extract_strided_slice %dot_general3A_186 {offsets = [0, 0], sizes = [1, 4096], strides = [1, 1]} : vector<8x4096xf32> to vector<1x4096xf32>
    %add3A_188 = arith.addf %add3A_164, %slice3A_187 : vector<1x4096xf32>
    %get3A_189 = arith.constant 2048 : index
    %get3A_190 = arith.constant 0 : index
    %get3A_191 = vector.load %arg1[%get3A_189, %get3A_190] : memref<4096x1xf32, #tpu.memory_space<vmem>>, vector<256x1xf32>
    %iota3A_192 = tpu.iota {dimensions = array<i32: 0>} : vector<256x1xi32>
    %add3A_193 = arith.constant 2048 : i32
    %add3A_194 = vector.broadcast %add3A_193 : i32 to vector<256x1xi32>
    %add3A_195 = arith.addi %add3A_194, %iota3A_192 : vector<256x1xi32>
    %lt3A_196 = vector.broadcast %get3A_191 : vector<256x1xf32> to vector<256x4096xf32>
    %lt3A_197 = vector.broadcast %get3A_1 : vector<1x4096xf32> to vector<256x4096xf32>
    %lt3A_198 = arith.cmpf olt, %lt3A_196, %lt3A_197 : vector<256x4096xf32>
    %eq3A_199 = vector.broadcast %get3A_191 : vector<256x1xf32> to vector<256x4096xf32>
    %eq3A_200 = vector.broadcast %get3A_1 : vector<1x4096xf32> to vector<256x4096xf32>
    %eq3A_201 = arith.cmpf oeq, %eq3A_199, %eq3A_200 : vector<256x4096xf32>
    %lt3A_202 = vector.broadcast %add3A_195 : vector<256x1xi32> to vector<256x4096xi32>
    %lt3A_203 = vector.broadcast %iota3A : vector<1x4096xi32> to vector<256x4096xi32>
    %lt3A_204 = arith.cmpi slt, %lt3A_202, %lt3A_203 : vector<256x4096xi32>
    %and3A_205 = arith.andi %eq3A_201, %lt3A_204 : vector<256x4096xi1>
    %or3A_206 = arith.ori %lt3A_198, %and3A_205 : vector<256x4096xi1>
    %convert_element_type3A_207 = arith.extui %or3A_206 : vector<256x4096xi1> to vector<256x4096xi32>
    %convert_element_type3A_208 = arith.sitofp %convert_element_type3A_207 : vector<256x4096xi32> to vector<256x4096xf32>
    %dot_general3A_209 = arith.constant dense<0.000000e+00> : vector<8x4096xf32>
    %dot_general3A_210 = tpu.matmul %broadcast_in_dim3A_2, %convert_element_type3A_208, %dot_general3A_209 {dimension_numbers = #tpu.dot_dimension_numbers<[1], [0], [0], [1], [0, 0, 1, 1], [], []>, transpose_lhs_hint = false} : vector<8x256xf32>, vector<256x4096xf32>, vector<8x4096xf32> -> vector<8x4096xf32>
    %slice3A_211 = vector.extract_strided_slice %dot_general3A_210 {offsets = [0, 0], sizes = [1, 4096], strides = [1, 1]} : vector<8x4096xf32> to vector<1x4096xf32>
    %add3A_212 = arith.addf %add3A_188, %slice3A_211 : vector<1x4096xf32>
    %get3A_213 = arith.constant 2304 : index
    %get3A_214 = arith.constant 0 : index
    %get3A_215 = vector.load %arg1[%get3A_213, %get3A_214] : memref<4096x1xf32, #tpu.memory_space<vmem>>, vector<256x1xf32>
    %iota3A_216 = tpu.iota {dimensions = array<i32: 0>} : vector<256x1xi32>
    %add3A_217 = arith.constant 2304 : i32
    %add3A_218 = vector.broadcast %add3A_217 : i32 to vector<256x1xi32>
    %add3A_219 = arith.addi %add3A_218, %iota3A_216 : vector<256x1xi32>
    %lt3A_220 = vector.broadcast %get3A_215 : vector<256x1xf32> to vector<256x4096xf32>
    %lt3A_221 = vector.broadcast %get3A_1 : vector<1x4096xf32> to vector<256x4096xf32>
    %lt3A_222 = arith.cmpf olt, %lt3A_220, %lt3A_221 : vector<256x4096xf32>
    %eq3A_223 = vector.broadcast %get3A_215 : vector<256x1xf32> to vector<256x4096xf32>
    %eq3A_224 = vector.broadcast %get3A_1 : vector<1x4096xf32> to vector<256x4096xf32>
    %eq3A_225 = arith.cmpf oeq, %eq3A_223, %eq3A_224 : vector<256x4096xf32>
    %lt3A_226 = vector.broadcast %add3A_219 : vector<256x1xi32> to vector<256x4096xi32>
    %lt3A_227 = vector.broadcast %iota3A : vector<1x4096xi32> to vector<256x4096xi32>
    %lt3A_228 = arith.cmpi slt, %lt3A_226, %lt3A_227 : vector<256x4096xi32>
    %and3A_229 = arith.andi %eq3A_225, %lt3A_228 : vector<256x4096xi1>
    %or3A_230 = arith.ori %lt3A_222, %and3A_229 : vector<256x4096xi1>
    %convert_element_type3A_231 = arith.extui %or3A_230 : vector<256x4096xi1> to vector<256x4096xi32>
    %convert_element_type3A_232 = arith.sitofp %convert_element_type3A_231 : vector<256x4096xi32> to vector<256x4096xf32>
    %dot_general3A_233 = arith.constant dense<0.000000e+00> : vector<8x4096xf32>
    %dot_general3A_234 = tpu.matmul %broadcast_in_dim3A_2, %convert_element_type3A_232, %dot_general3A_233 {dimension_numbers = #tpu.dot_dimension_numbers<[1], [0], [0], [1], [0, 0, 1, 1], [], []>, transpose_lhs_hint = false} : vector<8x256xf32>, vector<256x4096xf32>, vector<8x4096xf32> -> vector<8x4096xf32>
    %slice3A_235 = vector.extract_strided_slice %dot_general3A_234 {offsets = [0, 0], sizes = [1, 4096], strides = [1, 1]} : vector<8x4096xf32> to vector<1x4096xf32>
    %add3A_236 = arith.addf %add3A_212, %slice3A_235 : vector<1x4096xf32>
    %get3A_237 = arith.constant 2560 : index
    %get3A_238 = arith.constant 0 : index
    %get3A_239 = vector.load %arg1[%get3A_237, %get3A_238] : memref<4096x1xf32, #tpu.memory_space<vmem>>, vector<256x1xf32>
    %iota3A_240 = tpu.iota {dimensions = array<i32: 0>} : vector<256x1xi32>
    %add3A_241 = arith.constant 2560 : i32
    %add3A_242 = vector.broadcast %add3A_241 : i32 to vector<256x1xi32>
    %add3A_243 = arith.addi %add3A_242, %iota3A_240 : vector<256x1xi32>
    %lt3A_244 = vector.broadcast %get3A_239 : vector<256x1xf32> to vector<256x4096xf32>
    %lt3A_245 = vector.broadcast %get3A_1 : vector<1x4096xf32> to vector<256x4096xf32>
    %lt3A_246 = arith.cmpf olt, %lt3A_244, %lt3A_245 : vector<256x4096xf32>
    %eq3A_247 = vector.broadcast %get3A_239 : vector<256x1xf32> to vector<256x4096xf32>
    %eq3A_248 = vector.broadcast %get3A_1 : vector<1x4096xf32> to vector<256x4096xf32>
    %eq3A_249 = arith.cmpf oeq, %eq3A_247, %eq3A_248 : vector<256x4096xf32>
    %lt3A_250 = vector.broadcast %add3A_243 : vector<256x1xi32> to vector<256x4096xi32>
    %lt3A_251 = vector.broadcast %iota3A : vector<1x4096xi32> to vector<256x4096xi32>
    %lt3A_252 = arith.cmpi slt, %lt3A_250, %lt3A_251 : vector<256x4096xi32>
    %and3A_253 = arith.andi %eq3A_249, %lt3A_252 : vector<256x4096xi1>
    %or3A_254 = arith.ori %lt3A_246, %and3A_253 : vector<256x4096xi1>
    %convert_element_type3A_255 = arith.extui %or3A_254 : vector<256x4096xi1> to vector<256x4096xi32>
    %convert_element_type3A_256 = arith.sitofp %convert_element_type3A_255 : vector<256x4096xi32> to vector<256x4096xf32>
    %dot_general3A_257 = arith.constant dense<0.000000e+00> : vector<8x4096xf32>
    %dot_general3A_258 = tpu.matmul %broadcast_in_dim3A_2, %convert_element_type3A_256, %dot_general3A_257 {dimension_numbers = #tpu.dot_dimension_numbers<[1], [0], [0], [1], [0, 0, 1, 1], [], []>, transpose_lhs_hint = false} : vector<8x256xf32>, vector<256x4096xf32>, vector<8x4096xf32> -> vector<8x4096xf32>
    %slice3A_259 = vector.extract_strided_slice %dot_general3A_258 {offsets = [0, 0], sizes = [1, 4096], strides = [1, 1]} : vector<8x4096xf32> to vector<1x4096xf32>
    %add3A_260 = arith.addf %add3A_236, %slice3A_259 : vector<1x4096xf32>
    %get3A_261 = arith.constant 2816 : index
    %get3A_262 = arith.constant 0 : index
    %get3A_263 = vector.load %arg1[%get3A_261, %get3A_262] : memref<4096x1xf32, #tpu.memory_space<vmem>>, vector<256x1xf32>
    %iota3A_264 = tpu.iota {dimensions = array<i32: 0>} : vector<256x1xi32>
    %add3A_265 = arith.constant 2816 : i32
    %add3A_266 = vector.broadcast %add3A_265 : i32 to vector<256x1xi32>
    %add3A_267 = arith.addi %add3A_266, %iota3A_264 : vector<256x1xi32>
    %lt3A_268 = vector.broadcast %get3A_263 : vector<256x1xf32> to vector<256x4096xf32>
    %lt3A_269 = vector.broadcast %get3A_1 : vector<1x4096xf32> to vector<256x4096xf32>
    %lt3A_270 = arith.cmpf olt, %lt3A_268, %lt3A_269 : vector<256x4096xf32>
    %eq3A_271 = vector.broadcast %get3A_263 : vector<256x1xf32> to vector<256x4096xf32>
    %eq3A_272 = vector.broadcast %get3A_1 : vector<1x4096xf32> to vector<256x4096xf32>
    %eq3A_273 = arith.cmpf oeq, %eq3A_271, %eq3A_272 : vector<256x4096xf32>
    %lt3A_274 = vector.broadcast %add3A_267 : vector<256x1xi32> to vector<256x4096xi32>
    %lt3A_275 = vector.broadcast %iota3A : vector<1x4096xi32> to vector<256x4096xi32>
    %lt3A_276 = arith.cmpi slt, %lt3A_274, %lt3A_275 : vector<256x4096xi32>
    %and3A_277 = arith.andi %eq3A_273, %lt3A_276 : vector<256x4096xi1>
    %or3A_278 = arith.ori %lt3A_270, %and3A_277 : vector<256x4096xi1>
    %convert_element_type3A_279 = arith.extui %or3A_278 : vector<256x4096xi1> to vector<256x4096xi32>
    %convert_element_type3A_280 = arith.sitofp %convert_element_type3A_279 : vector<256x4096xi32> to vector<256x4096xf32>
    %dot_general3A_281 = arith.constant dense<0.000000e+00> : vector<8x4096xf32>
    %dot_general3A_282 = tpu.matmul %broadcast_in_dim3A_2, %convert_element_type3A_280, %dot_general3A_281 {dimension_numbers = #tpu.dot_dimension_numbers<[1], [0], [0], [1], [0, 0, 1, 1], [], []>, transpose_lhs_hint = false} : vector<8x256xf32>, vector<256x4096xf32>, vector<8x4096xf32> -> vector<8x4096xf32>
    %slice3A_283 = vector.extract_strided_slice %dot_general3A_282 {offsets = [0, 0], sizes = [1, 4096], strides = [1, 1]} : vector<8x4096xf32> to vector<1x4096xf32>
    %add3A_284 = arith.addf %add3A_260, %slice3A_283 : vector<1x4096xf32>
    %get3A_285 = arith.constant 3072 : index
    %get3A_286 = arith.constant 0 : index
    %get3A_287 = vector.load %arg1[%get3A_285, %get3A_286] : memref<4096x1xf32, #tpu.memory_space<vmem>>, vector<256x1xf32>
    %iota3A_288 = tpu.iota {dimensions = array<i32: 0>} : vector<256x1xi32>
    %add3A_289 = arith.constant 3072 : i32
    %add3A_290 = vector.broadcast %add3A_289 : i32 to vector<256x1xi32>
    %add3A_291 = arith.addi %add3A_290, %iota3A_288 : vector<256x1xi32>
    %lt3A_292 = vector.broadcast %get3A_287 : vector<256x1xf32> to vector<256x4096xf32>
    %lt3A_293 = vector.broadcast %get3A_1 : vector<1x4096xf32> to vector<256x4096xf32>
    %lt3A_294 = arith.cmpf olt, %lt3A_292, %lt3A_293 : vector<256x4096xf32>
    %eq3A_295 = vector.broadcast %get3A_287 : vector<256x1xf32> to vector<256x4096xf32>
    %eq3A_296 = vector.broadcast %get3A_1 : vector<1x4096xf32> to vector<256x4096xf32>
    %eq3A_297 = arith.cmpf oeq, %eq3A_295, %eq3A_296 : vector<256x4096xf32>
    %lt3A_298 = vector.broadcast %add3A_291 : vector<256x1xi32> to vector<256x4096xi32>
    %lt3A_299 = vector.broadcast %iota3A : vector<1x4096xi32> to vector<256x4096xi32>
    %lt3A_300 = arith.cmpi slt, %lt3A_298, %lt3A_299 : vector<256x4096xi32>
    %and3A_301 = arith.andi %eq3A_297, %lt3A_300 : vector<256x4096xi1>
    %or3A_302 = arith.ori %lt3A_294, %and3A_301 : vector<256x4096xi1>
    %convert_element_type3A_303 = arith.extui %or3A_302 : vector<256x4096xi1> to vector<256x4096xi32>
    %convert_element_type3A_304 = arith.sitofp %convert_element_type3A_303 : vector<256x4096xi32> to vector<256x4096xf32>
    %dot_general3A_305 = arith.constant dense<0.000000e+00> : vector<8x4096xf32>
    %dot_general3A_306 = tpu.matmul %broadcast_in_dim3A_2, %convert_element_type3A_304, %dot_general3A_305 {dimension_numbers = #tpu.dot_dimension_numbers<[1], [0], [0], [1], [0, 0, 1, 1], [], []>, transpose_lhs_hint = false} : vector<8x256xf32>, vector<256x4096xf32>, vector<8x4096xf32> -> vector<8x4096xf32>
    %slice3A_307 = vector.extract_strided_slice %dot_general3A_306 {offsets = [0, 0], sizes = [1, 4096], strides = [1, 1]} : vector<8x4096xf32> to vector<1x4096xf32>
    %add3A_308 = arith.addf %add3A_284, %slice3A_307 : vector<1x4096xf32>
    %get3A_309 = arith.constant 3328 : index
    %get3A_310 = arith.constant 0 : index
    %get3A_311 = vector.load %arg1[%get3A_309, %get3A_310] : memref<4096x1xf32, #tpu.memory_space<vmem>>, vector<256x1xf32>
    %iota3A_312 = tpu.iota {dimensions = array<i32: 0>} : vector<256x1xi32>
    %add3A_313 = arith.constant 3328 : i32
    %add3A_314 = vector.broadcast %add3A_313 : i32 to vector<256x1xi32>
    %add3A_315 = arith.addi %add3A_314, %iota3A_312 : vector<256x1xi32>
    %lt3A_316 = vector.broadcast %get3A_311 : vector<256x1xf32> to vector<256x4096xf32>
    %lt3A_317 = vector.broadcast %get3A_1 : vector<1x4096xf32> to vector<256x4096xf32>
    %lt3A_318 = arith.cmpf olt, %lt3A_316, %lt3A_317 : vector<256x4096xf32>
    %eq3A_319 = vector.broadcast %get3A_311 : vector<256x1xf32> to vector<256x4096xf32>
    %eq3A_320 = vector.broadcast %get3A_1 : vector<1x4096xf32> to vector<256x4096xf32>
    %eq3A_321 = arith.cmpf oeq, %eq3A_319, %eq3A_320 : vector<256x4096xf32>
    %lt3A_322 = vector.broadcast %add3A_315 : vector<256x1xi32> to vector<256x4096xi32>
    %lt3A_323 = vector.broadcast %iota3A : vector<1x4096xi32> to vector<256x4096xi32>
    %lt3A_324 = arith.cmpi slt, %lt3A_322, %lt3A_323 : vector<256x4096xi32>
    %and3A_325 = arith.andi %eq3A_321, %lt3A_324 : vector<256x4096xi1>
    %or3A_326 = arith.ori %lt3A_318, %and3A_325 : vector<256x4096xi1>
    %convert_element_type3A_327 = arith.extui %or3A_326 : vector<256x4096xi1> to vector<256x4096xi32>
    %convert_element_type3A_328 = arith.sitofp %convert_element_type3A_327 : vector<256x4096xi32> to vector<256x4096xf32>
    %dot_general3A_329 = arith.constant dense<0.000000e+00> : vector<8x4096xf32>
    %dot_general3A_330 = tpu.matmul %broadcast_in_dim3A_2, %convert_element_type3A_328, %dot_general3A_329 {dimension_numbers = #tpu.dot_dimension_numbers<[1], [0], [0], [1], [0, 0, 1, 1], [], []>, transpose_lhs_hint = false} : vector<8x256xf32>, vector<256x4096xf32>, vector<8x4096xf32> -> vector<8x4096xf32>
    %slice3A_331 = vector.extract_strided_slice %dot_general3A_330 {offsets = [0, 0], sizes = [1, 4096], strides = [1, 1]} : vector<8x4096xf32> to vector<1x4096xf32>
    %add3A_332 = arith.addf %add3A_308, %slice3A_331 : vector<1x4096xf32>
    %get3A_333 = arith.constant 3584 : index
    %get3A_334 = arith.constant 0 : index
    %get3A_335 = vector.load %arg1[%get3A_333, %get3A_334] : memref<4096x1xf32, #tpu.memory_space<vmem>>, vector<256x1xf32>
    %iota3A_336 = tpu.iota {dimensions = array<i32: 0>} : vector<256x1xi32>
    %add3A_337 = arith.constant 3584 : i32
    %add3A_338 = vector.broadcast %add3A_337 : i32 to vector<256x1xi32>
    %add3A_339 = arith.addi %add3A_338, %iota3A_336 : vector<256x1xi32>
    %lt3A_340 = vector.broadcast %get3A_335 : vector<256x1xf32> to vector<256x4096xf32>
    %lt3A_341 = vector.broadcast %get3A_1 : vector<1x4096xf32> to vector<256x4096xf32>
    %lt3A_342 = arith.cmpf olt, %lt3A_340, %lt3A_341 : vector<256x4096xf32>
    %eq3A_343 = vector.broadcast %get3A_335 : vector<256x1xf32> to vector<256x4096xf32>
    %eq3A_344 = vector.broadcast %get3A_1 : vector<1x4096xf32> to vector<256x4096xf32>
    %eq3A_345 = arith.cmpf oeq, %eq3A_343, %eq3A_344 : vector<256x4096xf32>
    %lt3A_346 = vector.broadcast %add3A_339 : vector<256x1xi32> to vector<256x4096xi32>
    %lt3A_347 = vector.broadcast %iota3A : vector<1x4096xi32> to vector<256x4096xi32>
    %lt3A_348 = arith.cmpi slt, %lt3A_346, %lt3A_347 : vector<256x4096xi32>
    %and3A_349 = arith.andi %eq3A_345, %lt3A_348 : vector<256x4096xi1>
    %or3A_350 = arith.ori %lt3A_342, %and3A_349 : vector<256x4096xi1>
    %convert_element_type3A_351 = arith.extui %or3A_350 : vector<256x4096xi1> to vector<256x4096xi32>
    %convert_element_type3A_352 = arith.sitofp %convert_element_type3A_351 : vector<256x4096xi32> to vector<256x4096xf32>
    %dot_general3A_353 = arith.constant dense<0.000000e+00> : vector<8x4096xf32>
    %dot_general3A_354 = tpu.matmul %broadcast_in_dim3A_2, %convert_element_type3A_352, %dot_general3A_353 {dimension_numbers = #tpu.dot_dimension_numbers<[1], [0], [0], [1], [0, 0, 1, 1], [], []>, transpose_lhs_hint = false} : vector<8x256xf32>, vector<256x4096xf32>, vector<8x4096xf32> -> vector<8x4096xf32>
    %slice3A_355 = vector.extract_strided_slice %dot_general3A_354 {offsets = [0, 0], sizes = [1, 4096], strides = [1, 1]} : vector<8x4096xf32> to vector<1x4096xf32>
    %add3A_356 = arith.addf %add3A_332, %slice3A_355 : vector<1x4096xf32>
    %get3A_357 = arith.constant 3840 : index
    %get3A_358 = arith.constant 0 : index
    %get3A_359 = vector.load %arg1[%get3A_357, %get3A_358] : memref<4096x1xf32, #tpu.memory_space<vmem>>, vector<256x1xf32>
    %iota3A_360 = tpu.iota {dimensions = array<i32: 0>} : vector<256x1xi32>
    %add3A_361 = arith.constant 3840 : i32
    %add3A_362 = vector.broadcast %add3A_361 : i32 to vector<256x1xi32>
    %add3A_363 = arith.addi %add3A_362, %iota3A_360 : vector<256x1xi32>
    %lt3A_364 = vector.broadcast %get3A_359 : vector<256x1xf32> to vector<256x4096xf32>
    %lt3A_365 = vector.broadcast %get3A_1 : vector<1x4096xf32> to vector<256x4096xf32>
    %lt3A_366 = arith.cmpf olt, %lt3A_364, %lt3A_365 : vector<256x4096xf32>
    %eq3A_367 = vector.broadcast %get3A_359 : vector<256x1xf32> to vector<256x4096xf32>
    %eq3A_368 = vector.broadcast %get3A_1 : vector<1x4096xf32> to vector<256x4096xf32>
    %eq3A_369 = arith.cmpf oeq, %eq3A_367, %eq3A_368 : vector<256x4096xf32>
    %lt3A_370 = vector.broadcast %add3A_363 : vector<256x1xi32> to vector<256x4096xi32>
    %lt3A_371 = vector.broadcast %iota3A : vector<1x4096xi32> to vector<256x4096xi32>
    %lt3A_372 = arith.cmpi slt, %lt3A_370, %lt3A_371 : vector<256x4096xi32>
    %and3A_373 = arith.andi %eq3A_369, %lt3A_372 : vector<256x4096xi1>
    %or3A_374 = arith.ori %lt3A_366, %and3A_373 : vector<256x4096xi1>
    %convert_element_type3A_375 = arith.extui %or3A_374 : vector<256x4096xi1> to vector<256x4096xi32>
    %convert_element_type3A_376 = arith.sitofp %convert_element_type3A_375 : vector<256x4096xi32> to vector<256x4096xf32>
    %dot_general3A_377 = arith.constant dense<0.000000e+00> : vector<8x4096xf32>
    %dot_general3A_378 = tpu.matmul %broadcast_in_dim3A_2, %convert_element_type3A_376, %dot_general3A_377 {dimension_numbers = #tpu.dot_dimension_numbers<[1], [0], [0], [1], [0, 0, 1, 1], [], []>, transpose_lhs_hint = false} : vector<8x256xf32>, vector<256x4096xf32>, vector<8x4096xf32> -> vector<8x4096xf32>
    %slice3A_379 = vector.extract_strided_slice %dot_general3A_378 {offsets = [0, 0], sizes = [1, 4096], strides = [1, 1]} : vector<8x4096xf32> to vector<1x4096xf32>
    %add3A_380 = arith.addf %add3A_356, %slice3A_379 : vector<1x4096xf32>
    %iota3A_381 = tpu.iota {dimensions = array<i32: 0>} : vector<256x1xi32>
    %add3A_382 = arith.constant 0 : i32
    %add3A_383 = vector.broadcast %add3A_382 : i32 to vector<256x1xi32>
    %add3A_384 = arith.addi %add3A_383, %iota3A_381 : vector<256x1xi32>
    %convert_element_type3A_385 = arith.sitofp %add3A_384 : vector<256x1xi32> to vector<256x1xf32>
    %eq3A_386 = vector.broadcast %add3A_380 : vector<1x4096xf32> to vector<256x4096xf32>
    %eq3A_387 = vector.broadcast %convert_element_type3A_385 : vector<256x1xf32> to vector<256x4096xf32>
    %eq3A_388 = arith.cmpf oeq, %eq3A_386, %eq3A_387 : vector<256x4096xf32>
    %jit3A = arith.constant 0 : i32
    %broadcast_in_dim3A_389 = vector.shape_cast %iota3A : vector<1x4096xi32> to vector<1x4096xi32>
    %broadcast_in_dim3A_390 = vector.broadcast %broadcast_in_dim3A_389 : vector<1x4096xi32> to vector<256x4096xi32>
    %broadcast_in_dim3A_391 = vector.broadcast %jit3A : i32 to vector<256x4096xi32>
    %select_n3A = arith.select %eq3A_388, %broadcast_in_dim3A_390, %broadcast_in_dim3A_391 : vector<256x4096xi1>, vector<256x4096xi32>
    %reduce_sum3A = arith.constant dense<0> : vector<256xi32>
    %reduce_sum3A_392 = vector.multi_reduction <add>, %select_n3A, %reduce_sum3A [1] : vector<256x4096xi32> to vector<256xi32>
    %broadcast_in_dim3A_393 = vector.shape_cast %reduce_sum3A_392 : vector<256xi32> to vector<256x1xi32>
    %swap3A = arith.constant 0 : index
    %swap3A_394 = arith.constant 0 : index
    %swap3A_395 = vector.load %arg2[%swap3A, %swap3A_394] : memref<4096x1xi32, #tpu.memory_space<vmem>>, vector<256x1xi32>
    tpu.vector_store %arg2[%swap3A, %swap3A_394], %broadcast_in_dim3A_393 {strides = array<i32>} : memref<4096x1xi32, #tpu.memory_space<vmem>>, vector<256x1xi32>,
    %iota3A_396 = tpu.iota {dimensions = array<i32: 0>} : vector<256x1xi32>
    %add3A_397 = arith.constant 256 : i32
    %add3A_398 = vector.broadcast %add3A_397 : i32 to vector<256x1xi32>
    %add3A_399 = arith.addi %add3A_398, %iota3A_396 : vector<256x1xi32>
    %convert_element_type3A_400 = arith.sitofp %add3A_399 : vector<256x1xi32> to vector<256x1xf32>
    %eq3A_401 = vector.broadcast %add3A_380 : vector<1x4096xf32> to vector<256x4096xf32>
    %eq3A_402 = vector.broadcast %convert_element_type3A_400 : vector<256x1xf32> to vector<256x4096xf32>
    %eq3A_403 = arith.cmpf oeq, %eq3A_401, %eq3A_402 : vector<256x4096xf32>
    %jit3A_404 = arith.constant 0 : i32
    %broadcast_in_dim3A_405 = vector.shape_cast %iota3A : vector<1x4096xi32> to vector<1x4096xi32>
    %broadcast_in_dim3A_406 = vector.broadcast %broadcast_in_dim3A_405 : vector<1x4096xi32> to vector<256x4096xi32>
    %broadcast_in_dim3A_407 = vector.broadcast %jit3A_404 : i32 to vector<256x4096xi32>
    %select_n3A_408 = arith.select %eq3A_403, %broadcast_in_dim3A_406, %broadcast_in_dim3A_407 : vector<256x4096xi1>, vector<256x4096xi32>
    %reduce_sum3A_409 = arith.constant dense<0> : vector<256xi32>
    %reduce_sum3A_410 = vector.multi_reduction <add>, %select_n3A_408, %reduce_sum3A_409 [1] : vector<256x4096xi32> to vector<256xi32>
    %broadcast_in_dim3A_411 = vector.shape_cast %reduce_sum3A_410 : vector<256xi32> to vector<256x1xi32>
    %swap3A_412 = arith.constant 256 : index
    %swap3A_413 = arith.constant 0 : index
    %swap3A_414 = vector.load %arg2[%swap3A_412, %swap3A_413] : memref<4096x1xi32, #tpu.memory_space<vmem>>, vector<256x1xi32>
    tpu.vector_store %arg2[%swap3A_412, %swap3A_413], %broadcast_in_dim3A_411 {strides = array<i32>} : memref<4096x1xi32, #tpu.memory_space<vmem>>, vector<256x1xi32>,
    %iota3A_415 = tpu.iota {dimensions = array<i32: 0>} : vector<256x1xi32>
    %add3A_416 = arith.constant 512 : i32
    %add3A_417 = vector.broadcast %add3A_416 : i32 to vector<256x1xi32>
    %add3A_418 = arith.addi %add3A_417, %iota3A_415 : vector<256x1xi32>
    %convert_element_type3A_419 = arith.sitofp %add3A_418 : vector<256x1xi32> to vector<256x1xf32>
    %eq3A_420 = vector.broadcast %add3A_380 : vector<1x4096xf32> to vector<256x4096xf32>
    %eq3A_421 = vector.broadcast %convert_element_type3A_419 : vector<256x1xf32> to vector<256x4096xf32>
    %eq3A_422 = arith.cmpf oeq, %eq3A_420, %eq3A_421 : vector<256x4096xf32>
    %jit3A_423 = arith.constant 0 : i32
    %broadcast_in_dim3A_424 = vector.shape_cast %iota3A : vector<1x4096xi32> to vector<1x4096xi32>
    %broadcast_in_dim3A_425 = vector.broadcast %broadcast_in_dim3A_424 : vector<1x4096xi32> to vector<256x4096xi32>
    %broadcast_in_dim3A_426 = vector.broadcast %jit3A_423 : i32 to vector<256x4096xi32>
    %select_n3A_427 = arith.select %eq3A_422, %broadcast_in_dim3A_425, %broadcast_in_dim3A_426 : vector<256x4096xi1>, vector<256x4096xi32>
    %reduce_sum3A_428 = arith.constant dense<0> : vector<256xi32>
    %reduce_sum3A_429 = vector.multi_reduction <add>, %select_n3A_427, %reduce_sum3A_428 [1] : vector<256x4096xi32> to vector<256xi32>
    %broadcast_in_dim3A_430 = vector.shape_cast %reduce_sum3A_429 : vector<256xi32> to vector<256x1xi32>
    %swap3A_431 = arith.constant 512 : index
    %swap3A_432 = arith.constant 0 : index
    %swap3A_433 = vector.load %arg2[%swap3A_431, %swap3A_432] : memref<4096x1xi32, #tpu.memory_space<vmem>>, vector<256x1xi32>
    tpu.vector_store %arg2[%swap3A_431, %swap3A_432], %broadcast_in_dim3A_430 {strides = array<i32>} : memref<4096x1xi32, #tpu.memory_space<vmem>>, vector<256x1xi32>,
    %iota3A_434 = tpu.iota {dimensions = array<i32: 0>} : vector<256x1xi32>
    %add3A_435 = arith.constant 768 : i32
    %add3A_436 = vector.broadcast %add3A_435 : i32 to vector<256x1xi32>
    %add3A_437 = arith.addi %add3A_436, %iota3A_434 : vector<256x1xi32>
    %convert_element_type3A_438 = arith.sitofp %add3A_437 : vector<256x1xi32> to vector<256x1xf32>
    %eq3A_439 = vector.broadcast %add3A_380 : vector<1x4096xf32> to vector<256x4096xf32>
    %eq3A_440 = vector.broadcast %convert_element_type3A_438 : vector<256x1xf32> to vector<256x4096xf32>
    %eq3A_441 = arith.cmpf oeq, %eq3A_439, %eq3A_440 : vector<256x4096xf32>
    %jit3A_442 = arith.constant 0 : i32
    %broadcast_in_dim3A_443 = vector.shape_cast %iota3A : vector<1x4096xi32> to vector<1x4096xi32>
    %broadcast_in_dim3A_444 = vector.broadcast %broadcast_in_dim3A_443 : vector<1x4096xi32> to vector<256x4096xi32>
    %broadcast_in_dim3A_445 = vector.broadcast %jit3A_442 : i32 to vector<256x4096xi32>
    %select_n3A_446 = arith.select %eq3A_441, %broadcast_in_dim3A_444, %broadcast_in_dim3A_445 : vector<256x4096xi1>, vector<256x4096xi32>
    %reduce_sum3A_447 = arith.constant dense<0> : vector<256xi32>
    %reduce_sum3A_448 = vector.multi_reduction <add>, %select_n3A_446, %reduce_sum3A_447 [1] : vector<256x4096xi32> to vector<256xi32>
    %broadcast_in_dim3A_449 = vector.shape_cast %reduce_sum3A_448 : vector<256xi32> to vector<256x1xi32>
    %swap3A_450 = arith.constant 768 : index
    %swap3A_451 = arith.constant 0 : index
    %swap3A_452 = vector.load %arg2[%swap3A_450, %swap3A_451] : memref<4096x1xi32, #tpu.memory_space<vmem>>, vector<256x1xi32>
    tpu.vector_store %arg2[%swap3A_450, %swap3A_451], %broadcast_in_dim3A_449 {strides = array<i32>} : memref<4096x1xi32, #tpu.memory_space<vmem>>, vector<256x1xi32>,
    %iota3A_453 = tpu.iota {dimensions = array<i32: 0>} : vector<256x1xi32>
    %add3A_454 = arith.constant 1024 : i32
    %add3A_455 = vector.broadcast %add3A_454 : i32 to vector<256x1xi32>
    %add3A_456 = arith.addi %add3A_455, %iota3A_453 : vector<256x1xi32>
    %convert_element_type3A_457 = arith.sitofp %add3A_456 : vector<256x1xi32> to vector<256x1xf32>
    %eq3A_458 = vector.broadcast %add3A_380 : vector<1x4096xf32> to vector<256x4096xf32>
    %eq3A_459 = vector.broadcast %convert_element_type3A_457 : vector<256x1xf32> to vector<256x4096xf32>
    %eq3A_460 = arith.cmpf oeq, %eq3A_458, %eq3A_459 : vector<256x4096xf32>
    %jit3A_461 = arith.constant 0 : i32
    %broadcast_in_dim3A_462 = vector.shape_cast %iota3A : vector<1x4096xi32> to vector<1x4096xi32>
    %broadcast_in_dim3A_463 = vector.broadcast %broadcast_in_dim3A_462 : vector<1x4096xi32> to vector<256x4096xi32>
    %broadcast_in_dim3A_464 = vector.broadcast %jit3A_461 : i32 to vector<256x4096xi32>
    %select_n3A_465 = arith.select %eq3A_460, %broadcast_in_dim3A_463, %broadcast_in_dim3A_464 : vector<256x4096xi1>, vector<256x4096xi32>
    %reduce_sum3A_466 = arith.constant dense<0> : vector<256xi32>
    %reduce_sum3A_467 = vector.multi_reduction <add>, %select_n3A_465, %reduce_sum3A_466 [1] : vector<256x4096xi32> to vector<256xi32>
    %broadcast_in_dim3A_468 = vector.shape_cast %reduce_sum3A_467 : vector<256xi32> to vector<256x1xi32>
    %swap3A_469 = arith.constant 1024 : index
    %swap3A_470 = arith.constant 0 : index
    %swap3A_471 = vector.load %arg2[%swap3A_469, %swap3A_470] : memref<4096x1xi32, #tpu.memory_space<vmem>>, vector<256x1xi32>
    tpu.vector_store %arg2[%swap3A_469, %swap3A_470], %broadcast_in_dim3A_468 {strides = array<i32>} : memref<4096x1xi32, #tpu.memory_space<vmem>>, vector<256x1xi32>,
    %iota3A_472 = tpu.iota {dimensions = array<i32: 0>} : vector<256x1xi32>
    %add3A_473 = arith.constant 1280 : i32
    %add3A_474 = vector.broadcast %add3A_473 : i32 to vector<256x1xi32>
    %add3A_475 = arith.addi %add3A_474, %iota3A_472 : vector<256x1xi32>
    %convert_element_type3A_476 = arith.sitofp %add3A_475 : vector<256x1xi32> to vector<256x1xf32>
    %eq3A_477 = vector.broadcast %add3A_380 : vector<1x4096xf32> to vector<256x4096xf32>
    %eq3A_478 = vector.broadcast %convert_element_type3A_476 : vector<256x1xf32> to vector<256x4096xf32>
    %eq3A_479 = arith.cmpf oeq, %eq3A_477, %eq3A_478 : vector<256x4096xf32>
    %jit3A_480 = arith.constant 0 : i32
    %broadcast_in_dim3A_481 = vector.shape_cast %iota3A : vector<1x4096xi32> to vector<1x4096xi32>
    %broadcast_in_dim3A_482 = vector.broadcast %broadcast_in_dim3A_481 : vector<1x4096xi32> to vector<256x4096xi32>
    %broadcast_in_dim3A_483 = vector.broadcast %jit3A_480 : i32 to vector<256x4096xi32>
    %select_n3A_484 = arith.select %eq3A_479, %broadcast_in_dim3A_482, %broadcast_in_dim3A_483 : vector<256x4096xi1>, vector<256x4096xi32>
    %reduce_sum3A_485 = arith.constant dense<0> : vector<256xi32>
    %reduce_sum3A_486 = vector.multi_reduction <add>, %select_n3A_484, %reduce_sum3A_485 [1] : vector<256x4096xi32> to vector<256xi32>
    %broadcast_in_dim3A_487 = vector.shape_cast %reduce_sum3A_486 : vector<256xi32> to vector<256x1xi32>
    %swap3A_488 = arith.constant 1280 : index
    %swap3A_489 = arith.constant 0 : index
    %swap3A_490 = vector.load %arg2[%swap3A_488, %swap3A_489] : memref<4096x1xi32, #tpu.memory_space<vmem>>, vector<256x1xi32>
    tpu.vector_store %arg2[%swap3A_488, %swap3A_489], %broadcast_in_dim3A_487 {strides = array<i32>} : memref<4096x1xi32, #tpu.memory_space<vmem>>, vector<256x1xi32>,
    %iota3A_491 = tpu.iota {dimensions = array<i32: 0>} : vector<256x1xi32>
    %add3A_492 = arith.constant 1536 : i32
    %add3A_493 = vector.broadcast %add3A_492 : i32 to vector<256x1xi32>
    %add3A_494 = arith.addi %add3A_493, %iota3A_491 : vector<256x1xi32>
    %convert_element_type3A_495 = arith.sitofp %add3A_494 : vector<256x1xi32> to vector<256x1xf32>
    %eq3A_496 = vector.broadcast %add3A_380 : vector<1x4096xf32> to vector<256x4096xf32>
    %eq3A_497 = vector.broadcast %convert_element_type3A_495 : vector<256x1xf32> to vector<256x4096xf32>
    %eq3A_498 = arith.cmpf oeq, %eq3A_496, %eq3A_497 : vector<256x4096xf32>
    %jit3A_499 = arith.constant 0 : i32
    %broadcast_in_dim3A_500 = vector.shape_cast %iota3A : vector<1x4096xi32> to vector<1x4096xi32>
    %broadcast_in_dim3A_501 = vector.broadcast %broadcast_in_dim3A_500 : vector<1x4096xi32> to vector<256x4096xi32>
    %broadcast_in_dim3A_502 = vector.broadcast %jit3A_499 : i32 to vector<256x4096xi32>
    %select_n3A_503 = arith.select %eq3A_498, %broadcast_in_dim3A_501, %broadcast_in_dim3A_502 : vector<256x4096xi1>, vector<256x4096xi32>
    %reduce_sum3A_504 = arith.constant dense<0> : vector<256xi32>
    %reduce_sum3A_505 = vector.multi_reduction <add>, %select_n3A_503, %reduce_sum3A_504 [1] : vector<256x4096xi32> to vector<256xi32>
    %broadcast_in_dim3A_506 = vector.shape_cast %reduce_sum3A_505 : vector<256xi32> to vector<256x1xi32>
    %swap3A_507 = arith.constant 1536 : index
    %swap3A_508 = arith.constant 0 : index
    %swap3A_509 = vector.load %arg2[%swap3A_507, %swap3A_508] : memref<4096x1xi32, #tpu.memory_space<vmem>>, vector<256x1xi32>
    tpu.vector_store %arg2[%swap3A_507, %swap3A_508], %broadcast_in_dim3A_506 {strides = array<i32>} : memref<4096x1xi32, #tpu.memory_space<vmem>>, vector<256x1xi32>,
    %iota3A_510 = tpu.iota {dimensions = array<i32: 0>} : vector<256x1xi32>
    %add3A_511 = arith.constant 1792 : i32
    %add3A_512 = vector.broadcast %add3A_511 : i32 to vector<256x1xi32>
    %add3A_513 = arith.addi %add3A_512, %iota3A_510 : vector<256x1xi32>
    %convert_element_type3A_514 = arith.sitofp %add3A_513 : vector<256x1xi32> to vector<256x1xf32>
    %eq3A_515 = vector.broadcast %add3A_380 : vector<1x4096xf32> to vector<256x4096xf32>
    %eq3A_516 = vector.broadcast %convert_element_type3A_514 : vector<256x1xf32> to vector<256x4096xf32>
    %eq3A_517 = arith.cmpf oeq, %eq3A_515, %eq3A_516 : vector<256x4096xf32>
    %jit3A_518 = arith.constant 0 : i32
    %broadcast_in_dim3A_519 = vector.shape_cast %iota3A : vector<1x4096xi32> to vector<1x4096xi32>
    %broadcast_in_dim3A_520 = vector.broadcast %broadcast_in_dim3A_519 : vector<1x4096xi32> to vector<256x4096xi32>
    %broadcast_in_dim3A_521 = vector.broadcast %jit3A_518 : i32 to vector<256x4096xi32>
    %select_n3A_522 = arith.select %eq3A_517, %broadcast_in_dim3A_520, %broadcast_in_dim3A_521 : vector<256x4096xi1>, vector<256x4096xi32>
    %reduce_sum3A_523 = arith.constant dense<0> : vector<256xi32>
    %reduce_sum3A_524 = vector.multi_reduction <add>, %select_n3A_522, %reduce_sum3A_523 [1] : vector<256x4096xi32> to vector<256xi32>
    %broadcast_in_dim3A_525 = vector.shape_cast %reduce_sum3A_524 : vector<256xi32> to vector<256x1xi32>
    %swap3A_526 = arith.constant 1792 : index
    %swap3A_527 = arith.constant 0 : index
    %swap3A_528 = vector.load %arg2[%swap3A_526, %swap3A_527] : memref<4096x1xi32, #tpu.memory_space<vmem>>, vector<256x1xi32>
    tpu.vector_store %arg2[%swap3A_526, %swap3A_527], %broadcast_in_dim3A_525 {strides = array<i32>} : memref<4096x1xi32, #tpu.memory_space<vmem>>, vector<256x1xi32>,
    %iota3A_529 = tpu.iota {dimensions = array<i32: 0>} : vector<256x1xi32>
    %add3A_530 = arith.constant 2048 : i32
    %add3A_531 = vector.broadcast %add3A_530 : i32 to vector<256x1xi32>
    %add3A_532 = arith.addi %add3A_531, %iota3A_529 : vector<256x1xi32>
    %convert_element_type3A_533 = arith.sitofp %add3A_532 : vector<256x1xi32> to vector<256x1xf32>
    %eq3A_534 = vector.broadcast %add3A_380 : vector<1x4096xf32> to vector<256x4096xf32>
    %eq3A_535 = vector.broadcast %convert_element_type3A_533 : vector<256x1xf32> to vector<256x4096xf32>
    %eq3A_536 = arith.cmpf oeq, %eq3A_534, %eq3A_535 : vector<256x4096xf32>
    %jit3A_537 = arith.constant 0 : i32
    %broadcast_in_dim3A_538 = vector.shape_cast %iota3A : vector<1x4096xi32> to vector<1x4096xi32>
    %broadcast_in_dim3A_539 = vector.broadcast %broadcast_in_dim3A_538 : vector<1x4096xi32> to vector<256x4096xi32>
    %broadcast_in_dim3A_540 = vector.broadcast %jit3A_537 : i32 to vector<256x4096xi32>
    %select_n3A_541 = arith.select %eq3A_536, %broadcast_in_dim3A_539, %broadcast_in_dim3A_540 : vector<256x4096xi1>, vector<256x4096xi32>
    %reduce_sum3A_542 = arith.constant dense<0> : vector<256xi32>
    %reduce_sum3A_543 = vector.multi_reduction <add>, %select_n3A_541, %reduce_sum3A_542 [1] : vector<256x4096xi32> to vector<256xi32>
    %broadcast_in_dim3A_544 = vector.shape_cast %reduce_sum3A_543 : vector<256xi32> to vector<256x1xi32>
    %swap3A_545 = arith.constant 2048 : index
    %swap3A_546 = arith.constant 0 : index
    %swap3A_547 = vector.load %arg2[%swap3A_545, %swap3A_546] : memref<4096x1xi32, #tpu.memory_space<vmem>>, vector<256x1xi32>
    tpu.vector_store %arg2[%swap3A_545, %swap3A_546], %broadcast_in_dim3A_544 {strides = array<i32>} : memref<4096x1xi32, #tpu.memory_space<vmem>>, vector<256x1xi32>,
    %iota3A_548 = tpu.iota {dimensions = array<i32: 0>} : vector<256x1xi32>
    %add3A_549 = arith.constant 2304 : i32
    %add3A_550 = vector.broadcast %add3A_549 : i32 to vector<256x1xi32>
    %add3A_551 = arith.addi %add3A_550, %iota3A_548 : vector<256x1xi32>
    %convert_element_type3A_552 = arith.sitofp %add3A_551 : vector<256x1xi32> to vector<256x1xf32>
    %eq3A_553 = vector.broadcast %add3A_380 : vector<1x4096xf32> to vector<256x4096xf32>
    %eq3A_554 = vector.broadcast %convert_element_type3A_552 : vector<256x1xf32> to vector<256x4096xf32>
    %eq3A_555 = arith.cmpf oeq, %eq3A_553, %eq3A_554 : vector<256x4096xf32>
    %jit3A_556 = arith.constant 0 : i32
    %broadcast_in_dim3A_557 = vector.shape_cast %iota3A : vector<1x4096xi32> to vector<1x4096xi32>
    %broadcast_in_dim3A_558 = vector.broadcast %broadcast_in_dim3A_557 : vector<1x4096xi32> to vector<256x4096xi32>
    %broadcast_in_dim3A_559 = vector.broadcast %jit3A_556 : i32 to vector<256x4096xi32>
    %select_n3A_560 = arith.select %eq3A_555, %broadcast_in_dim3A_558, %broadcast_in_dim3A_559 : vector<256x4096xi1>, vector<256x4096xi32>
    %reduce_sum3A_561 = arith.constant dense<0> : vector<256xi32>
    %reduce_sum3A_562 = vector.multi_reduction <add>, %select_n3A_560, %reduce_sum3A_561 [1] : vector<256x4096xi32> to vector<256xi32>
    %broadcast_in_dim3A_563 = vector.shape_cast %reduce_sum3A_562 : vector<256xi32> to vector<256x1xi32>
    %swap3A_564 = arith.constant 2304 : index
    %swap3A_565 = arith.constant 0 : index
    %swap3A_566 = vector.load %arg2[%swap3A_564, %swap3A_565] : memref<4096x1xi32, #tpu.memory_space<vmem>>, vector<256x1xi32>
    tpu.vector_store %arg2[%swap3A_564, %swap3A_565], %broadcast_in_dim3A_563 {strides = array<i32>} : memref<4096x1xi32, #tpu.memory_space<vmem>>, vector<256x1xi32>,
    %iota3A_567 = tpu.iota {dimensions = array<i32: 0>} : vector<256x1xi32>
    %add3A_568 = arith.constant 2560 : i32
    %add3A_569 = vector.broadcast %add3A_568 : i32 to vector<256x1xi32>
    %add3A_570 = arith.addi %add3A_569, %iota3A_567 : vector<256x1xi32>
    %convert_element_type3A_571 = arith.sitofp %add3A_570 : vector<256x1xi32> to vector<256x1xf32>
    %eq3A_572 = vector.broadcast %add3A_380 : vector<1x4096xf32> to vector<256x4096xf32>
    %eq3A_573 = vector.broadcast %convert_element_type3A_571 : vector<256x1xf32> to vector<256x4096xf32>
    %eq3A_574 = arith.cmpf oeq, %eq3A_572, %eq3A_573 : vector<256x4096xf32>
    %jit3A_575 = arith.constant 0 : i32
    %broadcast_in_dim3A_576 = vector.shape_cast %iota3A : vector<1x4096xi32> to vector<1x4096xi32>
    %broadcast_in_dim3A_577 = vector.broadcast %broadcast_in_dim3A_576 : vector<1x4096xi32> to vector<256x4096xi32>
    %broadcast_in_dim3A_578 = vector.broadcast %jit3A_575 : i32 to vector<256x4096xi32>
    %select_n3A_579 = arith.select %eq3A_574, %broadcast_in_dim3A_577, %broadcast_in_dim3A_578 : vector<256x4096xi1>, vector<256x4096xi32>
    %reduce_sum3A_580 = arith.constant dense<0> : vector<256xi32>
    %reduce_sum3A_581 = vector.multi_reduction <add>, %select_n3A_579, %reduce_sum3A_580 [1] : vector<256x4096xi32> to vector<256xi32>
    %broadcast_in_dim3A_582 = vector.shape_cast %reduce_sum3A_581 : vector<256xi32> to vector<256x1xi32>
    %swap3A_583 = arith.constant 2560 : index
    %swap3A_584 = arith.constant 0 : index
    %swap3A_585 = vector.load %arg2[%swap3A_583, %swap3A_584] : memref<4096x1xi32, #tpu.memory_space<vmem>>, vector<256x1xi32>
    tpu.vector_store %arg2[%swap3A_583, %swap3A_584], %broadcast_in_dim3A_582 {strides = array<i32>} : memref<4096x1xi32, #tpu.memory_space<vmem>>, vector<256x1xi32>,
    %iota3A_586 = tpu.iota {dimensions = array<i32: 0>} : vector<256x1xi32>
    %add3A_587 = arith.constant 2816 : i32
    %add3A_588 = vector.broadcast %add3A_587 : i32 to vector<256x1xi32>
    %add3A_589 = arith.addi %add3A_588, %iota3A_586 : vector<256x1xi32>
    %convert_element_type3A_590 = arith.sitofp %add3A_589 : vector<256x1xi32> to vector<256x1xf32>
    %eq3A_591 = vector.broadcast %add3A_380 : vector<1x4096xf32> to vector<256x4096xf32>
    %eq3A_592 = vector.broadcast %convert_element_type3A_590 : vector<256x1xf32> to vector<256x4096xf32>
    %eq3A_593 = arith.cmpf oeq, %eq3A_591, %eq3A_592 : vector<256x4096xf32>
    %jit3A_594 = arith.constant 0 : i32
    %broadcast_in_dim3A_595 = vector.shape_cast %iota3A : vector<1x4096xi32> to vector<1x4096xi32>
    %broadcast_in_dim3A_596 = vector.broadcast %broadcast_in_dim3A_595 : vector<1x4096xi32> to vector<256x4096xi32>
    %broadcast_in_dim3A_597 = vector.broadcast %jit3A_594 : i32 to vector<256x4096xi32>
    %select_n3A_598 = arith.select %eq3A_593, %broadcast_in_dim3A_596, %broadcast_in_dim3A_597 : vector<256x4096xi1>, vector<256x4096xi32>
    %reduce_sum3A_599 = arith.constant dense<0> : vector<256xi32>
    %reduce_sum3A_600 = vector.multi_reduction <add>, %select_n3A_598, %reduce_sum3A_599 [1] : vector<256x4096xi32> to vector<256xi32>
    %broadcast_in_dim3A_601 = vector.shape_cast %reduce_sum3A_600 : vector<256xi32> to vector<256x1xi32>
    %swap3A_602 = arith.constant 2816 : index
    %swap3A_603 = arith.constant 0 : index
    %swap3A_604 = vector.load %arg2[%swap3A_602, %swap3A_603] : memref<4096x1xi32, #tpu.memory_space<vmem>>, vector<256x1xi32>
    tpu.vector_store %arg2[%swap3A_602, %swap3A_603], %broadcast_in_dim3A_601 {strides = array<i32>} : memref<4096x1xi32, #tpu.memory_space<vmem>>, vector<256x1xi32>,
    %iota3A_605 = tpu.iota {dimensions = array<i32: 0>} : vector<256x1xi32>
    %add3A_606 = arith.constant 3072 : i32
    %add3A_607 = vector.broadcast %add3A_606 : i32 to vector<256x1xi32>
    %add3A_608 = arith.addi %add3A_607, %iota3A_605 : vector<256x1xi32>
    %convert_element_type3A_609 = arith.sitofp %add3A_608 : vector<256x1xi32> to vector<256x1xf32>
    %eq3A_610 = vector.broadcast %add3A_380 : vector<1x4096xf32> to vector<256x4096xf32>
    %eq3A_611 = vector.broadcast %convert_element_type3A_609 : vector<256x1xf32> to vector<256x4096xf32>
    %eq3A_612 = arith.cmpf oeq, %eq3A_610, %eq3A_611 : vector<256x4096xf32>
    %jit3A_613 = arith.constant 0 : i32
    %broadcast_in_dim3A_614 = vector.shape_cast %iota3A : vector<1x4096xi32> to vector<1x4096xi32>
    %broadcast_in_dim3A_615 = vector.broadcast %broadcast_in_dim3A_614 : vector<1x4096xi32> to vector<256x4096xi32>
    %broadcast_in_dim3A_616 = vector.broadcast %jit3A_613 : i32 to vector<256x4096xi32>
    %select_n3A_617 = arith.select %eq3A_612, %broadcast_in_dim3A_615, %broadcast_in_dim3A_616 : vector<256x4096xi1>, vector<256x4096xi32>
    %reduce_sum3A_618 = arith.constant dense<0> : vector<256xi32>
    %reduce_sum3A_619 = vector.multi_reduction <add>, %select_n3A_617, %reduce_sum3A_618 [1] : vector<256x4096xi32> to vector<256xi32>
    %broadcast_in_dim3A_620 = vector.shape_cast %reduce_sum3A_619 : vector<256xi32> to vector<256x1xi32>
    %swap3A_621 = arith.constant 3072 : index
    %swap3A_622 = arith.constant 0 : index
    %swap3A_623 = vector.load %arg2[%swap3A_621, %swap3A_622] : memref<4096x1xi32, #tpu.memory_space<vmem>>, vector<256x1xi32>
    tpu.vector_store %arg2[%swap3A_621, %swap3A_622], %broadcast_in_dim3A_620 {strides = array<i32>} : memref<4096x1xi32, #tpu.memory_space<vmem>>, vector<256x1xi32>,
    %iota3A_624 = tpu.iota {dimensions = array<i32: 0>} : vector<256x1xi32>
    %add3A_625 = arith.constant 3328 : i32
    %add3A_626 = vector.broadcast %add3A_625 : i32 to vector<256x1xi32>
    %add3A_627 = arith.addi %add3A_626, %iota3A_624 : vector<256x1xi32>
    %convert_element_type3A_628 = arith.sitofp %add3A_627 : vector<256x1xi32> to vector<256x1xf32>
    %eq3A_629 = vector.broadcast %add3A_380 : vector<1x4096xf32> to vector<256x4096xf32>
    %eq3A_630 = vector.broadcast %convert_element_type3A_628 : vector<256x1xf32> to vector<256x4096xf32>
    %eq3A_631 = arith.cmpf oeq, %eq3A_629, %eq3A_630 : vector<256x4096xf32>
    %jit3A_632 = arith.constant 0 : i32
    %broadcast_in_dim3A_633 = vector.shape_cast %iota3A : vector<1x4096xi32> to vector<1x4096xi32>
    %broadcast_in_dim3A_634 = vector.broadcast %broadcast_in_dim3A_633 : vector<1x4096xi32> to vector<256x4096xi32>
    %broadcast_in_dim3A_635 = vector.broadcast %jit3A_632 : i32 to vector<256x4096xi32>
    %select_n3A_636 = arith.select %eq3A_631, %broadcast_in_dim3A_634, %broadcast_in_dim3A_635 : vector<256x4096xi1>, vector<256x4096xi32>
    %reduce_sum3A_637 = arith.constant dense<0> : vector<256xi32>
    %reduce_sum3A_638 = vector.multi_reduction <add>, %select_n3A_636, %reduce_sum3A_637 [1] : vector<256x4096xi32> to vector<256xi32>
    %broadcast_in_dim3A_639 = vector.shape_cast %reduce_sum3A_638 : vector<256xi32> to vector<256x1xi32>
    %swap3A_640 = arith.constant 3328 : index
    %swap3A_641 = arith.constant 0 : index
    %swap3A_642 = vector.load %arg2[%swap3A_640, %swap3A_641] : memref<4096x1xi32, #tpu.memory_space<vmem>>, vector<256x1xi32>
    tpu.vector_store %arg2[%swap3A_640, %swap3A_641], %broadcast_in_dim3A_639 {strides = array<i32>} : memref<4096x1xi32, #tpu.memory_space<vmem>>, vector<256x1xi32>,
    %iota3A_643 = tpu.iota {dimensions = array<i32: 0>} : vector<256x1xi32>
    %add3A_644 = arith.constant 3584 : i32
    %add3A_645 = vector.broadcast %add3A_644 : i32 to vector<256x1xi32>
    %add3A_646 = arith.addi %add3A_645, %iota3A_643 : vector<256x1xi32>
    %convert_element_type3A_647 = arith.sitofp %add3A_646 : vector<256x1xi32> to vector<256x1xf32>
    %eq3A_648 = vector.broadcast %add3A_380 : vector<1x4096xf32> to vector<256x4096xf32>
    %eq3A_649 = vector.broadcast %convert_element_type3A_647 : vector<256x1xf32> to vector<256x4096xf32>
    %eq3A_650 = arith.cmpf oeq, %eq3A_648, %eq3A_649 : vector<256x4096xf32>
    %jit3A_651 = arith.constant 0 : i32
    %broadcast_in_dim3A_652 = vector.shape_cast %iota3A : vector<1x4096xi32> to vector<1x4096xi32>
    %broadcast_in_dim3A_653 = vector.broadcast %broadcast_in_dim3A_652 : vector<1x4096xi32> to vector<256x4096xi32>
    %broadcast_in_dim3A_654 = vector.broadcast %jit3A_651 : i32 to vector<256x4096xi32>
    %select_n3A_655 = arith.select %eq3A_650, %broadcast_in_dim3A_653, %broadcast_in_dim3A_654 : vector<256x4096xi1>, vector<256x4096xi32>
    %reduce_sum3A_656 = arith.constant dense<0> : vector<256xi32>
    %reduce_sum3A_657 = vector.multi_reduction <add>, %select_n3A_655, %reduce_sum3A_656 [1] : vector<256x4096xi32> to vector<256xi32>
    %broadcast_in_dim3A_658 = vector.shape_cast %reduce_sum3A_657 : vector<256xi32> to vector<256x1xi32>
    %swap3A_659 = arith.constant 3584 : index
    %swap3A_660 = arith.constant 0 : index
    %swap3A_661 = vector.load %arg2[%swap3A_659, %swap3A_660] : memref<4096x1xi32, #tpu.memory_space<vmem>>, vector<256x1xi32>
    tpu.vector_store %arg2[%swap3A_659, %swap3A_660], %broadcast_in_dim3A_658 {strides = array<i32>} : memref<4096x1xi32, #tpu.memory_space<vmem>>, vector<256x1xi32>,
    %iota3A_662 = tpu.iota {dimensions = array<i32: 0>} : vector<256x1xi32>
    %add3A_663 = arith.constant 3840 : i32
    %add3A_664 = vector.broadcast %add3A_663 : i32 to vector<256x1xi32>
    %add3A_665 = arith.addi %add3A_664, %iota3A_662 : vector<256x1xi32>
    %convert_element_type3A_666 = arith.sitofp %add3A_665 : vector<256x1xi32> to vector<256x1xf32>
    %eq3A_667 = vector.broadcast %add3A_380 : vector<1x4096xf32> to vector<256x4096xf32>
    %eq3A_668 = vector.broadcast %convert_element_type3A_666 : vector<256x1xf32> to vector<256x4096xf32>
    %eq3A_669 = arith.cmpf oeq, %eq3A_667, %eq3A_668 : vector<256x4096xf32>
    %jit3A_670 = arith.constant 0 : i32
    %broadcast_in_dim3A_671 = vector.shape_cast %iota3A : vector<1x4096xi32> to vector<1x4096xi32>
    %broadcast_in_dim3A_672 = vector.broadcast %broadcast_in_dim3A_671 : vector<1x4096xi32> to vector<256x4096xi32>
    %broadcast_in_dim3A_673 = vector.broadcast %jit3A_670 : i32 to vector<256x4096xi32>
    %select_n3A_674 = arith.select %eq3A_669, %broadcast_in_dim3A_672, %broadcast_in_dim3A_673 : vector<256x4096xi1>, vector<256x4096xi32>
    %reduce_sum3A_675 = arith.constant dense<0> : vector<256xi32>
    %reduce_sum3A_676 = vector.multi_reduction <add>, %select_n3A_674, %reduce_sum3A_675 [1] : vector<256x4096xi32> to vector<256xi32>
    %broadcast_in_dim3A_677 = vector.shape_cast %reduce_sum3A_676 : vector<256xi32> to vector<256x1xi32>
    %swap3A_678 = arith.constant 3840 : index
    %swap3A_679 = arith.constant 0 : index
    %swap3A_680 = vector.load %arg2[%swap3A_678, %swap3A_679] : memref<4096x1xi32, #tpu.memory_space<vmem>>, vector<256x1xi32>
    tpu.vector_store %arg2[%swap3A_678, %swap3A_679], %broadcast_in_dim3A_677 {strides = array<i32>} : memref<4096x1xi32, #tpu.memory_space<vmem>>, vector<256x1xi32>,
    return
  }
}

module attributes {stable_mosaic.version = 14 : i64} {
  func.func @_bcast_body(%arg0: i32, %arg1: i32, %arg2: memref<512x1xi32, #tpu.memory_space<vmem>>, %arg3: memref<1x512x768xi32, #tpu.memory_space<vmem>>) attributes {dimension_semantics = [#tpu.dimension_semantics<arbitrary>, #tpu.dimension_semantics<arbitrary>], iteration_bounds = array<i64: 16, 8>, scalar_prefetch = 0 : i64, scratch_operands = 0 : i64, tpu.core_type = #tpu.core_type<tc>, window_params = [{transform_indices = @transform_0, window_bounds = array<i64: 512, 1>}, {transform_indices = @transform_1, window_bounds = array<i64: 1, 512, 768>}]} {
    %get3A = arith.constant 0 : index
    %get3A_0 = arith.constant 0 : index
    %get3A_1 = vector.load %arg2[%get3A, %get3A_0] : memref<512x1xi32, #tpu.memory_space<vmem>>, vector<512x1xi32>
    %broadcast_in_dim3A = vector.shape_cast %get3A_1 : vector<512x1xi32> to vector<1x512x1xi32>
    %broadcast_in_dim3A_2 = vector.shape_cast %broadcast_in_dim3A : vector<1x512x1xi32> to vector<1x512x1xi32>
    %broadcast_in_dim3A_3 = vector.broadcast %broadcast_in_dim3A_2 : vector<1x512x1xi32> to vector<1x512x768xi32>
    %swap3A = arith.constant 0 : index
    %swap3A_4 = arith.constant 0 : index
    %swap3A_5 = arith.constant 0 : index
    %swap3A_6 = vector.load %arg3[%swap3A, %swap3A_4, %swap3A_5] : memref<1x512x768xi32, #tpu.memory_space<vmem>>, vector<1x512x768xi32>
    tpu.vector_store %arg3[%swap3A, %swap3A_4, %swap3A_5], %broadcast_in_dim3A_3 {strides = array<i32>} : memref<1x512x768xi32, #tpu.memory_space<vmem>>, vector<1x512x768xi32>,
    return
  }
  func.func @transform_0(%arg0: i32, %arg1: i32) -> (i32, i32) {
    %c0_i32 = arith.constant 0 : i32
    %c0_i32_0 = arith.constant 0 : i32
    return %arg1, %c0_i32 : i32, i32
  }
  func.func @transform_1(%arg0: i32, %arg1: i32) -> (i32, i32, i32) {
    %c0_i32 = arith.constant 0 : i32
    %c0_i32_0 = arith.constant 0 : i32
    return %arg0, %arg1, %c0_i32 : i32, i32, i32
  }
}

</mosaic_0001>

<sc_bundles>
// kernel: kernel.5.cloned.1.call-start
scs
__scs_entry_jumppad:
0x0: {  	(pc) =	sbr.rel $0x88, $3  }
0x1: {  	(tag) =	ssettag $0x0;
	lr =	simm.s32 $0x1  }
0x2: {  	[smem:$0x3F9F] =	sst lr;
	_ =	strace $0xD0000000  }
0x3: {  	_ = 	snop  }
0x4: {  	_ = 	snop  }
0x5: {  	_ = 	snop  }
0x6: {  	_ = 	snop  }
0x7: {  	_ = 	snop  }
__scs_overlays_trampoline_lowered:
0x8: {  	[smem:$0x3FAE] =	sst s0  }
0x9: {  	[smem:$0x3FAF] =	sst s1  }
0xa: {  	[smem:$0x3FB0] =	sst s2  }
0xb: {  	[smem:$0x3FB1] =	sst s3  }
0xc: {  	[smem:$0x3FB2] =	sst s4  }
0xd: {  	[smem:$0x3FB3] =	sst s5  }
0xe: {  	[smem:$0x3FB4] =	sst s6  }
0xf: {  	[smem:$0x3FB5] =	sst s7  }
0x10: {  	[smem:$0x3FB6] =	sst s8  }
0x11: {  	[smem:$0x3FB7] =	sst s9;
	s0 =	simm.s32 @!p0 $0x0  }
0x12: {  	s1 =	sld [smem:$0x3F9D];
	s0 =	simm.s32 @p0 $0x1  }
0x13: {  	[smem:$0x3FB8] =	sst s0;
	s0 =	simm.s32 @!p1 $0x0  }
0x14: {  	s2 =	sld [smem:$0x3F9C];
	s0 =	simm.s32 @p1 $0x1  }
0x15: {  	[smem:$0x3FB9] =	sst s0;
	s0 =	simm.s32 @!p2 $0x0  }
0x16: {  	s3 =	sld [smem:$0x3FDB];
	s0 =	simm.s32 @p2 $0x1  }
0x17: {  	s4 =	simm.s32 $0x1BF5;
	[smem:$0x3FBB] =	sst s0  }
0x18: {  	s0 =	sld [smem:$0x3F9E];
	_ =	swait.ge [sflag:s4], $0x0  }
0x19: {  	s7 =	sld [smem:$0x3F9F]  }
0x1a: {  	s8 =	sadd.s32 $0xFFFFE003, lr  }
0x1b: {  	s9 =	sadd.s32 $0xFFFFFEF7, lr;
	s5 =	simm.s32 $0xFFFFFFFF;
	p2 =	slt.u32 s8, $0xFFFFF086  }
0x1c: {  	p1 =	slt.u32 s9, $0xF7A;
	s5 =	simm.s32 @!p2 $0x0  }
0x1d: {  	s5 =	simm.s32 @p1 $0x1;
	p0 =	seq.s32 s7, s2  }
0x1e: {  	s7 =	smul.u32 @!p0 $0xF7A, s2;
	p2 =	seq.s32 @!p0 s5, $0x0  }
0x1f: {  	s9 =	smul.u32 $0xF7A, s1;
	s8 =	simm.s32 @!p0 $0x1BF5;
	p2 =	por !p2, p0  }
0x20: {  	[sflag:s8] =	ssyncset.s32 @!p0 $0xFFFFF086;
	s6 =	sadd.s32 @!p0 s3, s7;
	s7 =	simm.s32 @!p0 $0x108  }
0x21: {  	s3 =	sadd.s32 s3, s9;
	s6 =	sadd.s32 @!p0 $0x88, s6;
	s7 =	simm.s32 @p2 $0x1082  }
0x22: {  	[simem:s7], [sflag:s8] =	dma.local @!p0 [hbm:s6], $0xF7A  }
0x23: {  	s9 =	sor.u32 $0xD0000000, s2;
	s6 =	simm.s32 $0x108;
	_ =	swait.ge @!p0 [sflag:s8], $0x0  }
0x24: {  	s3 =	sadd.s32 $0x88, s3;
	s6 =	simm.s32 @!p1 $0x1082;
	[sflag:s4] =	ssyncset.s32 $0xFFFFF086  }
0x25: {  	[simem:s6], [sflag:s4] =	dma.local [hbm:s3], $0xF7A  }
0x26: {  	[smem:$0x3F9F] =	sst s1;
	(tag) =	ssettag s2;
	_ =	strace s9  }
0x27: {  	s1 =	sld [smem:$0x3FAF]  }
0x28: {  	s2 =	sld [smem:$0x3FB0]  }
0x29: {  	s4 =	sld [smem:$0x3FB2]  }
0x2a: {  	p0 =	seq.s32 s5, $0x0;
	s5 =	sld [smem:$0x3FB3]  }
0x2b: {  	s6 =	sld [smem:$0x3FB4]  }
0x2c: {  	s7 =	sld [smem:$0x3FB5]  }
0x2d: {  	s3 =	simm.s32 $0x108;
	s8 =	sld [smem:$0x3FB6]  }
0x2e: {  	s3 =	simm.s32 @!p0 $0x1082;
	s9 =	sld [smem:$0x3FB7]  }
0x2f: {  	lr =	sadd.s32 s0, s3;
	s0 =	sld [smem:$0x3FAE]  }
0x30: {  	s3 =	sld [smem:$0x3FB1]  }
0x31: {  	[smem:$0x3FBA] =	sst s10  }
0x32: {  	s10 =	sld [smem:$0x3FB8];
	_ =	sdelay $0x3  }
0x33: {  	p0 =	seq.s32 s10, $0x1;
	s10 =	sld [smem:$0x3FBA];
	_ =	sdelay $0x3  }
0x34: {  	[smem:$0x3FBA] =	sst s10  }
0x35: {  	s10 =	sld [smem:$0x3FB9];
	_ =	sdelay $0x3  }
0x36: {  	p1 =	seq.s32 s10, $0x1;
	s10 =	sld [smem:$0x3FBA];
	_ =	sdelay $0x3  }
0x37: {  	[smem:$0x3FBA] =	sst s10  }
0x38: {  	s10 =	sld [smem:$0x3FBB]  }
0x39: {  	_ = 	snop;
	(pc) =	sbr.ind lr, $3  }
0x3a: {  	_ = 	snop  }
0x3b: {  	_ = 	snop  }
0x3c: {  	p2 =	seq.s32 s10, $0x1;
	s10 =	sld [smem:$0x3FBA]  }
0x3d: {  	_ =	shalt  }
0x3e: {  	_ =	shalt  }
0x3f: {  	_ =	shalt  }
0x40: {  	_ =	shalt  }
0x41: {  	_ =	shalt  }
0x42: {  	_ =	shalt  }
0x43: {  	_ =	shalt  }
0x44: {  	_ =	shalt  }
0x45: {  	_ =	shalt  }
0x46: {  	_ =	shalt  }
0x47: {  	_ =	shalt  }
0x48: {  	_ =	shalt  }
0x49: {  	_ =	shalt  }
0x4a: {  	_ =	shalt  }
0x4b: {  	_ =	shalt  }
0x4c: {  	_ =	shalt  }
0x4d: {  	_ =	shalt  }
0x4e: {  	_ =	shalt  }
0x4f: {  	_ =	shalt  }
0x50: {  	_ =	shalt  }
0x51: {  	_ =	shalt  }
0x52: {  	_ =	shalt  }
0x53: {  	_ =	shalt  }
0x54: {  	_ =	shalt  }
0x55: {  	_ =	shalt  }
0x56: {  	_ =	shalt  }
0x57: {  	_ =	shalt  }
0x58: {  	_ =	shalt  }
0x59: {  	_ =	shalt  }
0x5a: {  	_ =	shalt  }
0x5b: {  	_ =	shalt  }
0x5c: {  	_ =	shalt  }
0x5d: {  	_ =	shalt  }
0x5e: {  	_ =	shalt  }
0x5f: {  	_ =	shalt  }
0x60: {  	_ =	shalt  }
0x61: {  	_ =	shalt  }
0x62: {  	_ =	shalt  }
0x63: {  	_ =	shalt  }
0x64: {  	_ =	shalt  }
0x65: {  	_ =	shalt  }
0x66: {  	_ =	shalt  }
0x67: {  	_ =	shalt  }
0x68: {  	_ =	shalt  }
0x69: {  	_ =	shalt  }
0x6a: {  	_ =	shalt  }
0x6b: {  	_ =	shalt  }
0x6c: {  	_ =	shalt  }
0x6d: {  	_ =	shalt  }
0x6e: {  	_ =	shalt  }
0x6f: {  	_ =	shalt  }
0x70: {  	_ =	shalt  }
0x71: {  	_ =	shalt  }
0x72: {  	_ =	shalt  }
0x73: {  	_ =	shalt  }
0x74: {  	_ =	shalt  }
0x75: {  	_ =	shalt  }
0x76: {  	_ =	shalt  }
0x77: {  	_ =	shalt  }
0x78: {  	_ =	shalt  }
0x79: {  	_ =	shalt  }
0x7a: {  	_ =	shalt  }
0x7b: {  	_ =	shalt  }
0x7c: {  	_ =	shalt  }
0x7d: {  	_ =	shalt  }
0x7e: {  	_ =	shalt  }
0x7f: {  	_ =	shalt  }
0x80: {  	_ =	shalt  }
0x81: {  	_ =	shalt  }
0x82: {  	_ =	shalt  }
0x83: {  	_ =	shalt  }
0x84: {  	_ =	shalt  }
0x85: {  	_ =	shalt  }
0x86: {  	_ =	shalt  }
0x87: {  	_ =	shalt  }
.Lfunc_end0:
.L_simem_size_0:
called_computation_lowered:
.L_overlay_start_0:
0x88: {  	s2 =	sld [smem:$0x3FD9]  }
0x89: {  	s3 =	sld [smem:$0x3FFE];
	_ =	sdelay $0x1  }
0x8a: {  	s1 =	srdreg.scid  }
0x8b: {  	s0 =	sand.u32 $0x1, s1  }
0x8c: {  	s14 =	sshll.u32 s0, $0xA;
	s2 =	sadd.s32 s3, s2  }
0x8d: {  	s2 =	sadd.s32 s2, s14  }
0x8e: {  	[smem:$0x3FC6] =	sst s2  }
0x8f: {  	_ = 	snop  }
0x90: {  	s2 =	sld [smem:$0x3FD0];
	_ =	sdelay $0x2  }
0x91: {  	s4 =	simm.s32 $0xA;
	s5 =	simm.s32 $0x10;
	s15 =	sld [smem:$0x3FC9]  }
0x92: {  	[smem:s5], [sflag:s4] =	dma.local [hbm:s2], $0x1  }
0x93: {  	_ =	swait.eq [sflag:s4], $0x1  }
0x94: {  	[sflag:s4] =	ssyncset.done $0x0  }
0x95: {  	[sflag:s4] =	ssyncadd.s32 $0xFFFFFFFF  }
0x96: {  	s16 =	sld [smem:$0x10];
	(tm) =	ssettm $0x1  }
0x97: {  	s17 =	sld [smem:$0x3FFB];
	_ =	sdelay $0x3  }
0x98: {  	_ =	strace s17  }
0x99: {  	s4 =	sld [smem:$0x3FFC];
	_ =	sdelay $0x3  }
0x9a: {  	_ =	strace s4  }
0x9b: {  	s4 =	sld [smem:$0x3FFD];
	_ =	sdelay $0x3  }
0x9c: {  	_ =	strace s4  }
0x9d: {  	_ =	strace $0x8FFFFFFF  }
0x9e: {  	s18 =	sld [smem:$0x3FDB];
	_ =	sdelay $0x1  }
0x9f: {  	s19 =	simm.s32 $_scs_section_size  }
0xa0: {  	s6 =	simm.s32 $_size__tile_overlayer_lowered;
	s7 =	simm.s32 $_tile_overlayer_lowered  }
0xa1: {  	s22 =	simm.s32 $0x1BFF;
	s21 =	sshll.u32 s7, $0x1;
	s4 =	sadd.s32 s19, s18  }
0xa2: {  	s8 =	simm.s32 $0x0;
	s20 =	sshll.u32 s6, $0x1;
	s6 =	sadd.s32 s21, s4  }
0xa3: {  	[timem:s8], [sflag:s22] =	dma.local [hbm:s6], s20  }
0xa4: {  	_ =	swait.ge [sflag:s22], s20  }
0xa5: {  	s5 =	ssub.s32 $0x0, s20;
	[sflag:s22] =	ssyncset.done $0x0  }
0xa6: {  	[sflag:s22] =	ssyncadd.s32 s5;
	_ =	sdelay $0x1  }
0xa7: {  	s23 =	simm.s32 $0x1B8B  }
0xa8: {  	_ =	swait.ge [sflag:s23], $0x1  }
0xa9: {  	[sflag:s23] =	ssyncset.done $0x0  }
0xaa: {  	s25 =	simm.s32 $0x1B8E;
	s24 =	sld [smem:$0x3FFE];
	[sflag:s23] =	ssyncadd.s32 $0xFFFFFFFF  }
0xab: {  	s26 =	simm.s32 $execute0_lowered;
	[smem:$0x3FD2] =	sst s25  }
0xac: {  	s6 =	sshll.u32 s26, $0x1;
	_ =	strace $0x80000046;
	[dreg:$0x1] =	wrdreg $0xFFFFFFFF  }
0xad: {  	s28 =	simm.s32 $_size_execute0_lowered;
	s4 =	sadd.s32 s4, s6;
	[dreg:$0x0] =	wrdreg $0x0  }
0xae: {  	s6 =	sshll.u32 s28, $0x1;
	[dreg:$0x2] =	wrdreg s4  }
0xaf: {  	[dreg:$0x3] =	wrdreg s6  }
0xb0: {  	[dreg:$0x4] =	wrdreg $0xC0  }
0xb1: {  	_ =	task [dreg:s8], $0x5FFFF  }
0xb2: {  	[dreg:$0x1] =	wrdreg $0xFFFFFFFF  }
0xb3: {  	[dreg:$0x0] =	wrdreg $0x60  }
0xb4: {  	[dreg:$0x2] =	wrdreg s15  }
0xb5: {  	[dreg:$0x3] =	wrdreg s24  }
0xb6: {  	[dreg:$0x4] =	wrdreg s16  }
0xb7: {  	[dreg:$0x5] =	wrdreg $0x9  }
0xb8: {  	_ =	task.clear_ibuf [dreg:s8], $0x6FFFF;
	_ =	strace $0x90000046  }
0xb9: {  	s29 =	simm.s32 $0x9;
	_ =	strace $0x80000048  }
0xba: {  	_ =	swait.ge [sflag:s29], $0x1  }
0xbb: {  	[sflag:s29] =	ssyncadd.s32 $0xFFFFFFFF  }
0xbc: {  	_ =	strace $0x90000048  }
0xbd: {  	_ =	sfence  }
0xbe: {  	s30 =	sld [smem:$0x0];
	_ =	sdelay $0x2  }
0xbf: {  	s31 =	sshll.u32 s1, $0xD;
	s1 =	sshrl.u32 s1, $0x2  }
0xc0: {  	s3 =	sand.u32 $0x4000, s31;
	s1 =	sadd.s32 s1, s30  }
0xc1: {  	s0 =	sor.u32 s3, s0;
	s1 =	sshll.u32 s1, $0x11  }
0xc2: {  	s0 =	sor.u32 s1, s0  }
0xc3: {  	s0 =	sadd.s32 $0x8F2B, s0  }
0xc4: {  	[sflag:s0] =	ssyncadd.remote.s32 $0x1  }
0xc5: {  	_ =	sfence.sel $0xFFFF  }
0xc6: {  	[dreg:$0x0] =	wrdreg $0xFFFFFFFF;
	(pc) =	sbr.abs _section_cstart, $3  }
0xc7: {  	[dreg:$0x1] =	wrdreg $0xFFFFFFFF  }
0xc8: {  	_ =	task.clear_ibuf [dreg:s8], $0x2FFFF;
	_ =	strace $0x9FFFFFFF  }
0xc9: {  	(tm) =	ssettm $0x7FFFFFFF  }
tec
execute0_lowered:
.L_overlay_start_1:
0x0: {  	(tag) =	ssettag $0x1  }
0x1: {  	s1 =	rddreg [dreg:$0x0]  }
0x2: {  	s0 =	rddreg [dreg:$0x1]  }
0x3: {  	s3 =	rddreg [dreg:$0x2];
	s4 =	srdreg.scid  }
0x4: {  	s2 =	simm.s32 $0x0;
	s10 =	stileid.u32;
	s25 =	simm.s32 $0xD000  }
0x5: {  	s28 =	simm.s32 $0xD800;
	s11 =	simm.s32 $0x10000;
	[smem:$0x7FF] =	sst s2  }
0x6: {  	s12 =	simm.s32 $0x10800;
	_ =	strace $0x80000047;
	[dreg:$0x7] =	wrdreg s25  }
0x7: {  	s13 =	simm.s32 $0x11000;
	s14 =	simm.s32 $0x11800;
	[dreg:$0x8] =	wrdreg s28  }
0x8: {  	s15 =	simm.s32 $0x12000;
	s17 =	simm.s32 $0x13000;
	[dreg:$0xd] =	wrdreg s11  }
0x9: {  	s18 =	simm.s32 $0x13800;
	s19 =	simm.s32 $0x14000;
	[dreg:$0xe] =	wrdreg s12  }
0xa: {  	s29 =	simm.s32 $0x9800;
	s30 =	simm.s32 $0xA000;
	[dreg:$0xf] =	wrdreg s13  }
0xb: {  	s31 =	simm.s32 $0xA800;
	s4 =	sand.u32 $0x1, s4;
	[dreg:$0x10] =	wrdreg s14  }
0xc: {  	s6 =	sshll.u32 s10, $0xC;
	s9 =	sshll.u32 s10, $0x1;
	[dreg:$0x11] =	wrdreg s15  }
0xd: {  	s5 =	sshll.u32 s4, $0x8;
	s20 =	ssub.s32 $0x2, s4;
	[dreg:$0x12] =	wrdreg s17  }
0xe: {  	s7 =	sshll.u32 s4, $0xB;
	s21 =	sor.u32 s4, s9;
	[dreg:$0x13] =	wrdreg s18  }
0xf: {  	p1 =	seq.s32 s4, $0x1;
	s9 =	simm.s32 $0xF000;
	[dreg:$0x14] =	wrdreg s19  }
0x10: {  	s25 =	simm.s32 $0x17000;
	s28 =	simm.s32 $0x18000;
	s11 =	simm.s32 $0xC000  }
0x11: {  	s12 =	simm.s32 $0xC800;
	s13 =	simm.s32 $0x2;
	s14 =	simm.s32 $0x12800  }
0x12: {  	s15 =	simm.s32 $0x3;
	s17 =	simm.s32 $0x4;
	s18 =	simm.s32 $0x6  }
0x13: {  	s19 =	simm.s32 $0x7;
	s0 =	sadd.s32 s5, s0;
	s8 =	sshrl.u32 s20, $0x1  }
0x14: {  	s6 =	sor.u32 s7, s6;
	p0 =	seq.s32 s21, $0x0;
	[dreg:$0xb] =	wrdreg s9  }
0x15: {  	s9 =	simm.s32 $0x9;
	s21 =	simm.s32 $0x15000;
	[dreg:$0x1a] =	wrdreg s25  }
0x16: {  	[dreg:$0x1c] =	wrdreg s28;
	s8 =	ssub.s32 s20, s8;
	s7 =	sor.u32 $0x40, s6  }
0x17: {  	s23 =	sshrl.u32 s6, $0x3;
	s6 =	sor.u32 $0x60, s6;
	p0 =	por !p0, !p1  }
0x18: {  	s20 =	simm.s32 $0x14800;
	[dreg:$0x16] =	wrdreg s21;
	s21 =	simm.s32 $0x0  }
0x19: {  	s22 =	sshrl.u32 s7, $0x3;
	s5 =	smul.u32 $0x300, s23;
	s6 =	sshrl.u32 s6, $0x3  }
0x1a: {  	p0 =	por !p0, !p0;
	s7 =	simm.s32 $0x1;
	s8 =	smax.u32 s8, $0x1  }
0x1b: {  	[dreg:$0x15] =	wrdreg s20;
	s23 =	simm.s32 $0x16000;
	s4 =	smul.u32 $0x300, s22  }
0x1c: {  	s20 =	simm.s32 $0x8;
	s6 =	smul.u32 $0x300, s6;
	s7 =	simm.s32 @!p0 $0x0  }
0x1d: {  	s22 =	simm.s32 $0x15800;
	[dreg:$0x18] =	wrdreg s23;
	s5 =	sadd.s32 s5, s3  }
0x1e: {  	s26 =	ssub.s32 s10, s7;
	s7 =	simm.s32 $0xE800;
	[dreg:$0x17] =	wrdreg s22  }
0x1f: {  	s10 =	simm.s32 $0xF800;
	s22 =	simm.s32 $0x6800;
	[dreg:$0x5] =	wrdreg s5  }
0x20: {  	s24 =	sadd.s32 s4, s3;
	s4 =	simm.s32 $0x1;
	[dreg:$0xa] =	wrdreg s7  }
0x21: {  	s3 =	sadd.s32 s6, s3;
	s16 =	sshll.u32 s26, $0xC;
	[dreg:$0xc] =	wrdreg s10  }
0x22: {  	s6 =	simm.s32 $0xE000;
	s5 =	sadd.s32 $0x600, s0;
	[dreg:$0x4] =	wrdreg s24  }
0x23: {  	s7 =	sadd.s32 $0x200, s1;
	s10 =	simm.s32 $0x800;
	[dreg:$0x6] =	wrdreg s3  }
0x24: {  	v3 =	vlaneseq.u32;
	s26 =	simm.s32 $0x17800;
	s0 =	simm.s32 $0xB000;
	[dreg:$0x9] =	wrdreg s6  }
0x25: {  	vm0 =	vmmov $0xffff;
	v1 =	vand.u32 $0x7, v3;
	v2 =	vshrl.u32 v3, $0x3;
	s6 =	sadd.s32 $0x100, s1;
	s24 =	simm.s32 $0x16800;
	[dreg:$0x1b] =	wrdreg s26  }
0x26: {  	v3 =	vor.u32 $0x8, v3;
	v2 =	vmul.u32 $0x8, v2;
	s3 =	simm.s32 $0xB800;
	v0 =	vmov s16;
	s16 =	simm.s32 $0x5;
	[dreg:$0x19] =	wrdreg s24  }
.LBB2_1:
0x27: {  	[tilespmem:s2], [sflag:$0x9] =	stream.linear.gather [hbm4b:s5+s2], $0x800, $0x38;
	[tilespmem:$0x18800] =	vst v63  }
0x28: {  	_ =	swait.ge [sflag:s9], $0x800  }
0x29: {  	[sflag:s9] =	ssyncset.done $0x0  }
0x2a: {  	s23 =	simm.s32 $0x0;
	s24 =	simm.s32 $0x40;
	[sflag:s9] =	ssyncadd.s32 $0xFFFFF800  }
.LBB2_2:
0x2b: {  	p0 =	sne.s32 s24, $0x1FC0;
	v4 =	vld [tilespmem:s23+$0x0];
	_ =	sdelay $0x1  }
.Ltmp0:
0x2c: {  	(pc) =	sbr.rel @p0 .LBB2_2-.Ltmp0, $3  }
0x2d: {  	_ =	sdelay $0x1  }
0x2e: {  	v4 =	vadd.s32 v0, v4  }
0x2f: {  	[tilespmem:s23+$0x0] =	vst v4;
	s23 =	sshra.s32 s24, $0x2;
	s24 =	sadd.s32 $0x40, s24  }
0x30: {  	v4 =	vld [tilespmem:s23+$0x0];
	_ =	sdelay $0x4  }
0x31: {  	v4 =	vadd.s32 v0, v4  }
0x32: {  	[tilespmem:s23+$0x0] =	vst v4  }
0x33: {  	v4 =	vld [tilespmem:$0x0];
	_ =	sdelay $0x4  }
0x34: {  	v5 =	vshrl.u32 v4, $0x3  }
0x35: {  	v5 =	vmul.u32 $0x30, v5  }
0x36: {  	v4 =	vand.u32 $0x7, v4  }
0x37: {  	v4 =	vor.u32 v4, v5  }
0x38: {  	v5 =	vperm.xlane v4, v1;
	_ =	sdelay $0x1  }
0x39: {  	v5 =	vadd.s32 v2, v5;
	_ =	sdelay $0x3  }
0x3a: {  	s23 =	simm.s32 $0x0;
	v4 =	vperm.xlane v4, v3  }
0x3b: {  	[tilespmem:s10], [sflag:$0x1] =	stream.indirect_vreg.gather [hbm4b:s1+s23], $0x80, v5, vm0, $0xb8;
	[tilespmem:$0x18800] =	vst v63  }
0x3c: {  	s24 =	simm.s32 $0x1000;
	v4 =	vadd.s32 v2, v4  }
0x3d: {  	[tilespmem:s24], [sflag:$0x1] =	stream.indirect_vreg.gather [hbm4b:s6+s23], $0x80, v5, vm0, $0xb8;
	[tilespmem:$0x18800] =	vst v63  }
0x3e: {  	s25 =	simm.s32 $0x1800  }
0x3f: {  	[tilespmem:s25], [sflag:$0x1] =	stream.indirect_vreg.gather [hbm4b:s7+s23], $0x80, v5, vm0, $0xb8;
	[tilespmem:$0x18800] =	vst v63  }
0x40: {  	s26 =	simm.s32 $0x2000  }
0x41: {  	[tilespmem:s26], [sflag:$0x1] =	stream.indirect_vreg.gather [hbm4b:s1+s23], $0x80, v4, vm0, $0xb8;
	[tilespmem:$0x18800] =	vst v63  }
0x42: {  	s28 =	simm.s32 $0x2800  }
0x43: {  	[tilespmem:s28], [sflag:$0x1] =	stream.indirect_vreg.gather [hbm4b:s6+s23], $0x80, v4, vm0, $0xb8;
	[tilespmem:$0x18800] =	vst v63  }
0x44: {  	s25 =	simm.s32 $0x3000  }
0x45: {  	[tilespmem:s25], [sflag:$0x1] =	stream.indirect_vreg.gather [hbm4b:s7+s23], $0x80, v4, vm0, $0xb8;
	[tilespmem:$0x18800] =	vst v63  }
0x46: {  	v4 =	vld [tilespmem:$0x10];
	_ =	sdelay $0x4  }
0x47: {  	v5 =	vshrl.u32 v4, $0x3  }
0x48: {  	v5 =	vmul.u32 $0x30, v5  }
0x49: {  	v4 =	vand.u32 $0x7, v4  }
0x4a: {  	v4 =	vor.u32 v4, v5  }
0x4b: {  	v5 =	vperm.xlane v4, v1;
	_ =	sdelay $0x1  }
0x4c: {  	v5 =	vadd.s32 v2, v5;
	_ =	sdelay $0x3  }
0x4d: {  	s26 =	simm.s32 $0x3800;
	v4 =	vperm.xlane v4, v3  }
0x4e: {  	[tilespmem:s26], [sflag:$0x1] =	stream.indirect_vreg.gather [hbm4b:s1+s23], $0x80, v5, vm0, $0xb8;
	[tilespmem:$0x18800] =	vst v63  }
0x4f: {  	s28 =	simm.s32 $0x4000;
	v4 =	vadd.s32 v2, v4  }
0x50: {  	[tilespmem:s28], [sflag:$0x1] =	stream.indirect_vreg.gather [hbm4b:s6+s23], $0x80, v5, vm0, $0xb8;
	[tilespmem:$0x18800] =	vst v63  }
0x51: {  	s25 =	simm.s32 $0x4800  }
0x52: {  	[tilespmem:s25], [sflag:$0x1] =	stream.indirect_vreg.gather [hbm4b:s7+s23], $0x80, v5, vm0, $0xb8;
	[tilespmem:$0x18800] =	vst v63  }
0x53: {  	s26 =	simm.s32 $0x5000  }
0x54: {  	[tilespmem:s26], [sflag:$0x1] =	stream.indirect_vreg.gather [hbm4b:s1+s23], $0x80, v4, vm0, $0xb8;
	[tilespmem:$0x18800] =	vst v63  }
0x55: {  	s28 =	simm.s32 $0x5800  }
0x56: {  	[tilespmem:s28], [sflag:$0x1] =	stream.indirect_vreg.gather [hbm4b:s6+s23], $0x80, v4, vm0, $0xb8;
	[tilespmem:$0x18800] =	vst v63  }
0x57: {  	s25 =	simm.s32 $0x6000  }
0x58: {  	[tilespmem:s25], [sflag:$0x1] =	stream.indirect_vreg.gather [hbm4b:s7+s23], $0x80, v4, vm0, $0xb8;
	[tilespmem:$0x18800] =	vst v63  }
0x59: {  	v4 =	vld [tilespmem:$0x20];
	_ =	sdelay $0x4  }
0x5a: {  	v5 =	vshrl.u32 v4, $0x3  }
0x5b: {  	v5 =	vmul.u32 $0x30, v5  }
0x5c: {  	v4 =	vand.u32 $0x7, v4  }
0x5d: {  	v4 =	vor.u32 v4, v5  }
0x5e: {  	v5 =	vperm.xlane v4, v1;
	_ =	sdelay $0x1  }
0x5f: {  	v5 =	vadd.s32 v2, v5;
	_ =	sdelay $0x3  }
0x60: {  	v4 =	vperm.xlane v4, v3  }
0x61: {  	[tilespmem:s22], [sflag:$0x2] =	stream.indirect_vreg.gather [hbm4b:s1+s23], $0x80, v5, vm0, $0xb8;
	[tilespmem:$0x18800] =	vst v63  }
0x62: {  	s26 =	simm.s32 $0x7000;
	v4 =	vadd.s32 v2, v4  }
0x63: {  	[tilespmem:s26], [sflag:$0x2] =	stream.indirect_vreg.gather [hbm4b:s6+s23], $0x80, v5, vm0, $0xb8;
	[tilespmem:$0x18800] =	vst v63  }
0x64: {  	s28 =	simm.s32 $0x7800  }
0x65: {  	[tilespmem:s28], [sflag:$0x2] =	stream.indirect_vreg.gather [hbm4b:s7+s23], $0x80, v5, vm0, $0xb8;
	[tilespmem:$0x18800] =	vst v63  }
0x66: {  	s25 =	simm.s32 $0x8000  }
0x67: {  	[tilespmem:s25], [sflag:$0x2] =	stream.indirect_vreg.gather [hbm4b:s1+s23], $0x80, v4, vm0, $0xb8;
	[tilespmem:$0x18800] =	vst v63  }
0x68: {  	s26 =	simm.s32 $0x8800  }
0x69: {  	[tilespmem:s26], [sflag:$0x2] =	stream.indirect_vreg.gather [hbm4b:s6+s23], $0x80, v4, vm0, $0xb8;
	[tilespmem:$0x18800] =	vst v63  }
0x6a: {  	s28 =	simm.s32 $0x9000  }
0x6b: {  	[tilespmem:s28], [sflag:$0x2] =	stream.indirect_vreg.gather [hbm4b:s7+s23], $0x80, v4, vm0, $0xb8;
	[tilespmem:$0x18800] =	vst v63  }
0x6c: {  	v4 =	vld [tilespmem:$0x30];
	_ =	sdelay $0x4  }
0x6d: {  	v5 =	vshrl.u32 v4, $0x3  }
0x6e: {  	v5 =	vmul.u32 $0x30, v5  }
0x6f: {  	v4 =	vand.u32 $0x7, v4  }
0x70: {  	v4 =	vor.u32 v4, v5  }
0x71: {  	v5 =	vperm.xlane v4, v1;
	_ =	sdelay $0x1  }
0x72: {  	v5 =	vadd.s32 v2, v5;
	_ =	sdelay $0x3  }
0x73: {  	v4 =	vperm.xlane v4, v3  }
0x74: {  	[tilespmem:s29], [sflag:$0x2] =	stream.indirect_vreg.gather [hbm4b:s1+s23], $0x80, v5, vm0, $0xb8;
	[tilespmem:$0x18800] =	vst v63  }
0x75: {  	v4 =	vadd.s32 v2, v4  }
0x76: {  	[tilespmem:s30], [sflag:$0x2] =	stream.indirect_vreg.gather [hbm4b:s6+s23], $0x80, v5, vm0, $0xb8;
	[tilespmem:$0x18800] =	vst v63  }
0x77: {  	_ = 	snop  }
0x78: {  	[tilespmem:s31], [sflag:$0x2] =	stream.indirect_vreg.gather [hbm4b:s7+s23], $0x80, v5, vm0, $0xb8;
	[tilespmem:$0x18800] =	vst v63  }
0x79: {  	_ = 	snop  }
0x7a: {  	[tilespmem:s0], [sflag:$0x2] =	stream.indirect_vreg.gather [hbm4b:s1+s23], $0x80, v4, vm0, $0xb8;
	[tilespmem:$0x18800] =	vst v63  }
0x7b: {  	_ = 	snop  }
0x7c: {  	[tilespmem:s3], [sflag:$0x2] =	stream.indirect_vreg.gather [hbm4b:s6+s23], $0x80, v4, vm0, $0xb8;
	[tilespmem:$0x18800] =	vst v63  }
0x7d: {  	s24 =	simm.s32 $0x60  }
0x7e: {  	[tilespmem:s11], [sflag:$0x2] =	stream.indirect_vreg.gather [hbm4b:s7+s23], $0x80, v4, vm0, $0xb8;
	[tilespmem:$0x18800] =	vst v63  }
.LBB2_4:
0x7f: {  	_ =	swait.ge [sflag:s4], $0x6000  }
0x80: {  	p0 =	seq.s32 s23, $0x0;
	[sflag:s4] =	ssyncset.done $0x0  }
0x81: {  	s25 =	simm.s32 @!p0 $0x7;
	[sflag:s4] =	ssyncadd.s32 $0xFFFFA000  }
0x82: {  	_ =	swait.ge @!p0 [sflag:s25], $0x6000  }
0x83: {  	[sflag:s25] =	ssyncset.done @!p0 $0x0  }
0x84: {  	[sflag:s25] =	ssyncadd.s32 @!p0 $0xFFFFA000  }
0x85: {  	v4 =	vld [tilespmem:s24+$0xFFFFFFE0];
	_ =	sdelay $0x4  }
0x86: {  	v5 =	vshrl.u32 v4, $0x3  }
0x87: {  	v5 =	vmul.u32 $0x30, v5  }
0x88: {  	v4 =	vand.u32 $0x7, v4  }
0x89: {  	v4 =	vor.u32 v4, v5  }
0x8a: {  	v5 =	vperm.xlane v4, v1;
	_ =	sdelay $0x1  }
0x8b: {  	v5 =	vadd.s32 v2, v5;
	_ =	sdelay $0x3  }
0x8c: {  	v4 =	vperm.xlane v4, v3  }
0x8d: {  	[tilespmem:s12], [sflag:$0x3] =	stream.indirect_vreg.gather [hbm4b:s1+s2], $0x80, v5, vm0, $0xb8;
	[tilespmem:$0x18800] =	vst v63  }
0x8e: {  	s28 =	rddreg [dreg:$0x7];
	v4 =	vadd.s32 v2, v4  }
0x8f: {  	[tilespmem:s28], [sflag:$0x3] =	stream.indirect_vreg.gather [hbm4b:s6+s2], $0x80, v5, vm0, $0xb8;
	[tilespmem:$0x18800] =	vst v63  }
0x90: {  	s26 =	rddreg [dreg:$0x8]  }
0x91: {  	[tilespmem:s26], [sflag:$0x3] =	stream.indirect_vreg.gather [hbm4b:s7+s2], $0x80, v5, vm0, $0xb8;
	[tilespmem:$0x18800] =	vst v63  }
0x92: {  	s28 =	rddreg [dreg:$0x9]  }
0x93: {  	[tilespmem:s28], [sflag:$0x3] =	stream.indirect_vreg.gather [hbm4b:s1+s2], $0x80, v4, vm0, $0xb8;
	[tilespmem:$0x18800] =	vst v63  }
0x94: {  	s26 =	rddreg [dreg:$0xa]  }
0x95: {  	[tilespmem:s26], [sflag:$0x3] =	stream.indirect_vreg.gather [hbm4b:s6+s2], $0x80, v4, vm0, $0xb8;
	[tilespmem:$0x18800] =	vst v63  }
0x96: {  	s28 =	rddreg [dreg:$0xb]  }
0x97: {  	[tilespmem:s28], [sflag:$0x3] =	stream.indirect_vreg.gather [hbm4b:s7+s2], $0x80, v4, vm0, $0xb8;
	[tilespmem:$0x18800] =	vst v63  }
0x98: {  	v4 =	vld [tilespmem:s24+$0xFFFFFFF0];
	_ =	sdelay $0x4  }
0x99: {  	v5 =	vshrl.u32 v4, $0x3  }
0x9a: {  	v5 =	vmul.u32 $0x30, v5  }
0x9b: {  	v4 =	vand.u32 $0x7, v4  }
0x9c: {  	v4 =	vor.u32 v4, v5  }
0x9d: {  	v5 =	vperm.xlane v4, v1;
	_ =	sdelay $0x1  }
0x9e: {  	v5 =	vadd.s32 v2, v5;
	_ =	sdelay $0x2  }
0x9f: {  	s26 =	rddreg [dreg:$0xd]  }
0xa0: {  	s28 =	rddreg [dreg:$0xc];
	v4 =	vperm.xlane v4, v3  }
0xa1: {  	[tilespmem:s28], [sflag:$0x3] =	stream.indirect_vreg.gather [hbm4b:s1+s2], $0x80, v5, vm0, $0xb8;
	[tilespmem:$0x18800] =	vst v63  }
0xa2: {  	v4 =	vadd.s32 v2, v4;
	s28 =	rddreg [dreg:$0xe]  }
0xa3: {  	[tilespmem:s26], [sflag:$0x3] =	stream.indirect_vreg.gather [hbm4b:s6+s2], $0x80, v5, vm0, $0xb8;
	[tilespmem:$0x18800] =	vst v63  }
0xa4: {  	s26 =	rddreg [dreg:$0xf]  }
0xa5: {  	[tilespmem:s28], [sflag:$0x3] =	stream.indirect_vreg.gather [hbm4b:s7+s2], $0x80, v5, vm0, $0xb8;
	[tilespmem:$0x18800] =	vst v63  }
0xa6: {  	s28 =	rddreg [dreg:$0x10]  }
0xa7: {  	[tilespmem:s26], [sflag:$0x3] =	stream.indirect_vreg.gather [hbm4b:s1+s2], $0x80, v4, vm0, $0xb8;
	[tilespmem:$0x18800] =	vst v63  }
0xa8: {  	s26 =	rddreg [dreg:$0x11]  }
0xa9: {  	[tilespmem:s28], [sflag:$0x3] =	stream.indirect_vreg.gather [hbm4b:s6+s2], $0x80, v4, vm0, $0xb8;
	[tilespmem:$0x18800] =	vst v63  }
0xaa: {  	s28 =	rddreg [dreg:$0x5]  }
0xab: {  	[tilespmem:s26], [sflag:$0x3] =	stream.indirect_vreg.gather [hbm4b:s7+s2], $0x80, v4, vm0, $0xb8;
	[tilespmem:$0x18800] =	vst v63  }
0xac: {  	s25 =	sadd.s32 s23, s28  }
0xad: {  	[hbm4b:s25+s2] =	stream.linear.scatter [tilespmem:s10], [sflag:$0x5], $0x6000, $0x38;
	[tilespmem:$0x18800] =	vst v63  }
0xae: {  	_ =	swait.ge [sflag:s13], $0x6000  }
0xaf: {  	[sflag:s13] =	ssyncset.done $0x0  }
0xb0: {  	s26 =	simm.s32 @!p0 $0x8;
	[sflag:s13] =	ssyncadd.s32 $0xFFFFA000  }
0xb1: {  	_ =	swait.ge @!p0 [sflag:s26], $0x6000  }
0xb2: {  	[sflag:s26] =	ssyncset.done @!p0 $0x0  }
0xb3: {  	[sflag:s26] =	ssyncadd.s32 @!p0 $0xFFFFA000  }
0xb4: {  	v4 =	vld [tilespmem:s24+$0x0];
	_ =	sdelay $0x4  }
0xb5: {  	v5 =	vshrl.u32 v4, $0x3  }
0xb6: {  	v5 =	vmul.u32 $0x30, v5  }
0xb7: {  	v4 =	vand.u32 $0x7, v4  }
0xb8: {  	v4 =	vor.u32 v4, v5  }
0xb9: {  	v5 =	vperm.xlane v4, v1;
	_ =	sdelay $0x1  }
0xba: {  	v5 =	vadd.s32 v2, v5;
	_ =	sdelay $0x3  }
0xbb: {  	v4 =	vperm.xlane v4, v3  }
0xbc: {  	[tilespmem:s14], [sflag:$0x4] =	stream.indirect_vreg.gather [hbm4b:s1+s2], $0x80, v5, vm0, $0xb8;
	[tilespmem:$0x18800] =	vst v63  }
0xbd: {  	s26 =	rddreg [dreg:$0x12];
	v4 =	vadd.s32 v2, v4  }
0xbe: {  	[tilespmem:s26], [sflag:$0x4] =	stream.indirect_vreg.gather [hbm4b:s6+s2], $0x80, v5, vm0, $0xb8;
	[tilespmem:$0x18800] =	vst v63  }
0xbf: {  	s28 =	rddreg [dreg:$0x13]  }
0xc0: {  	[tilespmem:s28], [sflag:$0x4] =	stream.indirect_vreg.gather [hbm4b:s7+s2], $0x80, v5, vm0, $0xb8;
	[tilespmem:$0x18800] =	vst v63  }
0xc1: {  	s26 =	rddreg [dreg:$0x14]  }
0xc2: {  	[tilespmem:s26], [sflag:$0x4] =	stream.indirect_vreg.gather [hbm4b:s1+s2], $0x80, v4, vm0, $0xb8;
	[tilespmem:$0x18800] =	vst v63  }
0xc3: {  	s28 =	rddreg [dreg:$0x15]  }
0xc4: {  	[tilespmem:s28], [sflag:$0x4] =	stream.indirect_vreg.gather [hbm4b:s6+s2], $0x80, v4, vm0, $0xb8;
	[tilespmem:$0x18800] =	vst v63  }
0xc5: {  	s26 =	rddreg [dreg:$0x16]  }
0xc6: {  	[tilespmem:s26], [sflag:$0x4] =	stream.indirect_vreg.gather [hbm4b:s7+s2], $0x80, v4, vm0, $0xb8;
	[tilespmem:$0x18800] =	vst v63  }
0xc7: {  	v4 =	vld [tilespmem:s24+$0x10];
	_ =	sdelay $0x4  }
0xc8: {  	v5 =	vshrl.u32 v4, $0x3  }
0xc9: {  	v5 =	vmul.u32 $0x30, v5  }
0xca: {  	v4 =	vand.u32 $0x7, v4  }
0xcb: {  	v4 =	vor.u32 v4, v5  }
0xcc: {  	v5 =	vperm.xlane v4, v1;
	_ =	sdelay $0x1  }
0xcd: {  	v5 =	vadd.s32 v2, v5;
	_ =	sdelay $0x3  }
0xce: {  	s26 =	rddreg [dreg:$0x17];
	v4 =	vperm.xlane v4, v3  }
0xcf: {  	[tilespmem:s26], [sflag:$0x4] =	stream.indirect_vreg.gather [hbm4b:s1+s2], $0x80, v5, vm0, $0xb8;
	[tilespmem:$0x18800] =	vst v63  }
0xd0: {  	s28 =	rddreg [dreg:$0x18];
	v4 =	vadd.s32 v2, v4  }
0xd1: {  	[tilespmem:s28], [sflag:$0x4] =	stream.indirect_vreg.gather [hbm4b:s6+s2], $0x80, v5, vm0, $0xb8;
	[tilespmem:$0x18800] =	vst v63  }
0xd2: {  	s26 =	rddreg [dreg:$0x19]  }
0xd3: {  	[tilespmem:s26], [sflag:$0x4] =	stream.indirect_vreg.gather [hbm4b:s7+s2], $0x80, v5, vm0, $0xb8;
	[tilespmem:$0x18800] =	vst v63  }
0xd4: {  	s28 =	rddreg [dreg:$0x1a]  }
0xd5: {  	[tilespmem:s28], [sflag:$0x4] =	stream.indirect_vreg.gather [hbm4b:s1+s2], $0x80, v4, vm0, $0xb8;
	[tilespmem:$0x18800] =	vst v63  }
0xd6: {  	s26 =	rddreg [dreg:$0x1b]  }
0xd7: {  	[tilespmem:s26], [sflag:$0x4] =	stream.indirect_vreg.gather [hbm4b:s6+s2], $0x80, v4, vm0, $0xb8;
	[tilespmem:$0x18800] =	vst v63  }
0xd8: {  	s28 =	rddreg [dreg:$0x1c]  }
0xd9: {  	[tilespmem:s28], [sflag:$0x4] =	stream.indirect_vreg.gather [hbm4b:s7+s2], $0x80, v4, vm0, $0xb8;
	[tilespmem:$0x18800] =	vst v63  }
0xda: {  	s25 =	sadd.s32 $0xC00, s25  }
0xdb: {  	[hbm4b:s25+s2] =	stream.linear.scatter [tilespmem:s22], [sflag:$0x6], $0x6000, $0x38;
	[tilespmem:$0x18800] =	vst v63  }
0xdc: {  	_ =	swait.ge [sflag:s15], $0x6000  }
0xdd: {  	[sflag:s15] =	ssyncset.done $0x0  }
0xde: {  	[sflag:s15] =	ssyncadd.s32 $0xFFFFA000  }
0xdf: {  	_ =	swait.ge [sflag:s16], $0x6000  }
0xe0: {  	[sflag:s16] =	ssyncset.done $0x0  }
0xe1: {  	p0 =	seq.s32 s23, $0x2D000;
	[sflag:s16] =	ssyncadd.s32 $0xFFFFA000  }
0xe2: {  	v4 =	vld @!p0 [tilespmem:s24+$0x20];
	_ =	sdelay $0x4  }
0xe3: {  	v5 =	vshrl.u32 @!p0 v4, $0x3  }
0xe4: {  	v5 =	vmul.u32 @!p0 $0x30, v5  }
0xe5: {  	v6 =	vlaneseq.u32 @!p0;
	v4 =	vand.u32 @!p0 $0x7, v4  }
0xe6: {  	v7 =	vshrl.u32 @!p0 v6, $0x3;
	v4 =	vor.u32 @!p0 v4, v5;
	v5 =	vand.u32 @!p0 $0x7, v6  }
0xe7: {  	v7 =	vmul.u32 @!p0 $0x8, v7;
	v8 =	vperm.xlane @!p0 v4, v5;
	_ =	sdelay $0x1  }
0xe8: {  	v8 =	vadd.s32 @!p0 v7, v8;
	_ =	sdelay $0x2  }
0xe9: {  	v6 =	vor.u32 @!p0 $0x8, v6  }
0xea: {  	vm1 =	vmmov @!p0 $0xffff;
	s26 =	simm.s32 @!p0 $0x800;
	s25 =	simm.s32 @!p0 $0x0;
	v4 =	vperm.xlane @!p0 v4, v6  }
0xeb: {  	[tilespmem:s26], [sflag:$0x1] =	stream.indirect_vreg.gather @!p0 [hbm4b:s1+s25], $0x80, v8, vm1, $0xb8;
	[tilespmem:$0x18800] =	vst v63  }
0xec: {  	v4 =	vadd.s32 @!p0 v7, v4;
	s26 =	simm.s32 @!p0 $0x1000  }
0xed: {  	[tilespmem:s26], [sflag:$0x1] =	stream.indirect_vreg.gather @!p0 [hbm4b:s6+s25], $0x80, v8, vm1, $0xb8;
	[tilespmem:$0x18800] =	vst v63  }
0xee: {  	s26 =	simm.s32 @!p0 $0x1800  }
0xef: {  	[tilespmem:s26], [sflag:$0x1] =	stream.indirect_vreg.gather @!p0 [hbm4b:s7+s25], $0x80, v8, vm1, $0xb8;
	[tilespmem:$0x18800] =	vst v63  }
0xf0: {  	s26 =	simm.s32 @!p0 $0x2000  }
0xf1: {  	[tilespmem:s26], [sflag:$0x1] =	stream.indirect_vreg.gather @!p0 [hbm4b:s1+s25], $0x80, v4, vm1, $0xb8;
	[tilespmem:$0x18800] =	vst v63  }
0xf2: {  	s26 =	simm.s32 @!p0 $0x2800  }
0xf3: {  	[tilespmem:s26], [sflag:$0x1] =	stream.indirect_vreg.gather @!p0 [hbm4b:s6+s25], $0x80, v4, vm1, $0xb8;
	[tilespmem:$0x18800] =	vst v63  }
0xf4: {  	s26 =	simm.s32 @!p0 $0x3000  }
0xf5: {  	[tilespmem:s26], [sflag:$0x1] =	stream.indirect_vreg.gather @!p0 [hbm4b:s7+s25], $0x80, v4, vm1, $0xb8;
	[tilespmem:$0x18800] =	vst v63  }
0xf6: {  	v4 =	vld @!p0 [tilespmem:s24+$0x30];
	_ =	sdelay $0x4  }
0xf7: {  	v8 =	vshrl.u32 @!p0 v4, $0x3  }
0xf8: {  	v8 =	vmul.u32 @!p0 $0x30, v8  }
0xf9: {  	v4 =	vand.u32 @!p0 $0x7, v4  }
0xfa: {  	v4 =	vor.u32 @!p0 v4, v8  }
0xfb: {  	v8 =	vperm.xlane @!p0 v4, v5;
	_ =	sdelay $0x1  }
0xfc: {  	v8 =	vadd.s32 @!p0 v7, v8;
	_ =	sdelay $0x3  }
0xfd: {  	s26 =	simm.s32 @!p0 $0x3800;
	v4 =	vperm.xlane @!p0 v4, v6  }
0xfe: {  	[tilespmem:s26], [sflag:$0x1] =	stream.indirect_vreg.gather @!p0 [hbm4b:s1+s25], $0x80, v8, vm1, $0xb8;
	[tilespmem:$0x18800] =	vst v63  }
0xff: {  	v4 =	vadd.s32 @!p0 v7, v4;
	s26 =	simm.s32 @!p0 $0x4000  }
0x100: {  	[tilespmem:s26], [sflag:$0x1] =	stream.indirect_vreg.gather @!p0 [hbm4b:s6+s25], $0x80, v8, vm1, $0xb8;
	[tilespmem:$0x18800] =	vst v63  }
0x101: {  	s26 =	simm.s32 @!p0 $0x4800  }
0x102: {  	[tilespmem:s26], [sflag:$0x1] =	stream.indirect_vreg.gather @!p0 [hbm4b:s7+s25], $0x80, v8, vm1, $0xb8;
	[tilespmem:$0x18800] =	vst v63  }
0x103: {  	s26 =	simm.s32 @!p0 $0x5000  }
0x104: {  	[tilespmem:s26], [sflag:$0x1] =	stream.indirect_vreg.gather @!p0 [hbm4b:s1+s25], $0x80, v4, vm1, $0xb8;
	[tilespmem:$0x18800] =	vst v63  }
0x105: {  	s26 =	simm.s32 @!p0 $0x5800  }
0x106: {  	[tilespmem:s26], [sflag:$0x1] =	stream.indirect_vreg.gather @!p0 [hbm4b:s6+s25], $0x80, v4, vm1, $0xb8;
	[tilespmem:$0x18800] =	vst v63  }
0x107: {  	s28 =	simm.s32 @!p0 $0x6000;
	s26 =	rddreg [dreg:$0x4]  }
0x108: {  	[tilespmem:s28], [sflag:$0x1] =	stream.indirect_vreg.gather @!p0 [hbm4b:s7+s25], $0x80, v4, vm1, $0xb8;
	[tilespmem:$0x18800] =	vst v63  }
0x109: {  	s26 =	sadd.s32 s23, s26  }
0x10a: {  	[hbm4b:s26+s2] =	stream.linear.scatter [tilespmem:s12], [sflag:$0x7], $0x6000, $0x38;
	[tilespmem:$0x18800] =	vst v63  }
0x10b: {  	_ =	swait.ge [sflag:s17], $0x6000  }
0x10c: {  	[sflag:s17] =	ssyncset.done $0x0  }
0x10d: {  	[sflag:s17] =	ssyncadd.s32 $0xFFFFA000  }
0x10e: {  	_ =	swait.ge [sflag:s18], $0x6000  }
0x10f: {  	[sflag:s18] =	ssyncset.done $0x0  }
0x110: {  	[sflag:s18] =	ssyncadd.s32 $0xFFFFA000  }
0x111: {  	v4 =	vld @!p0 [tilespmem:s24+$0x40];
	_ =	sdelay $0x4  }
0x112: {  	v8 =	vshrl.u32 @!p0 v4, $0x3  }
0x113: {  	v8 =	vmul.u32 @!p0 $0x30, v8  }
0x114: {  	v4 =	vand.u32 @!p0 $0x7, v4  }
0x115: {  	v4 =	vor.u32 @!p0 v4, v8  }
0x116: {  	v8 =	vperm.xlane @!p0 v4, v5;
	_ =	sdelay $0x1  }
0x117: {  	v8 =	vadd.s32 @!p0 v7, v8;
	_ =	sdelay $0x3  }
0x118: {  	s26 =	simm.s32 @!p0 $0x6800;
	v4 =	vperm.xlane @!p0 v4, v6  }
0x119: {  	[tilespmem:s26], [sflag:$0x2] =	stream.indirect_vreg.gather @!p0 [hbm4b:s1+s25], $0x80, v8, vm1, $0xb8;
	[tilespmem:$0x18800] =	vst v63  }
0x11a: {  	v4 =	vadd.s32 @!p0 v7, v4;
	s26 =	simm.s32 @!p0 $0x7000  }
0x11b: {  	[tilespmem:s26], [sflag:$0x2] =	stream.indirect_vreg.gather @!p0 [hbm4b:s6+s25], $0x80, v8, vm1, $0xb8;
	[tilespmem:$0x18800] =	vst v63  }
0x11c: {  	s26 =	simm.s32 @!p0 $0x7800  }
0x11d: {  	[tilespmem:s26], [sflag:$0x2] =	stream.indirect_vreg.gather @!p0 [hbm4b:s7+s25], $0x80, v8, vm1, $0xb8;
	[tilespmem:$0x18800] =	vst v63  }
0x11e: {  	s26 =	simm.s32 @!p0 $0x8000  }
0x11f: {  	[tilespmem:s26], [sflag:$0x2] =	stream.indirect_vreg.gather @!p0 [hbm4b:s1+s25], $0x80, v4, vm1, $0xb8;
	[tilespmem:$0x18800] =	vst v63  }
0x120: {  	s26 =	simm.s32 @!p0 $0x8800  }
0x121: {  	[tilespmem:s26], [sflag:$0x2] =	stream.indirect_vreg.gather @!p0 [hbm4b:s6+s25], $0x80, v4, vm1, $0xb8;
	[tilespmem:$0x18800] =	vst v63  }
0x122: {  	s26 =	simm.s32 @!p0 $0x9000  }
0x123: {  	[tilespmem:s26], [sflag:$0x2] =	stream.indirect_vreg.gather @!p0 [hbm4b:s7+s25], $0x80, v4, vm1, $0xb8;
	[tilespmem:$0x18800] =	vst v63  }
0x124: {  	v4 =	vld @!p0 [tilespmem:s24+$0x50];
	_ =	sdelay $0x4  }
0x125: {  	v8 =	vshrl.u32 @!p0 v4, $0x3  }
0x126: {  	v8 =	vmul.u32 @!p0 $0x30, v8  }
0x127: {  	v4 =	vand.u32 @!p0 $0x7, v4  }
0x128: {  	v4 =	vor.u32 @!p0 v4, v8  }
0x129: {  	v5 =	vperm.xlane @!p0 v4, v5;
	_ =	sdelay $0x1  }
0x12a: {  	v5 =	vadd.s32 @!p0 v7, v5;
	_ =	sdelay $0x3  }
0x12b: {  	s26 =	simm.s32 @!p0 $0x9800;
	v4 =	vperm.xlane @!p0 v4, v6  }
0x12c: {  	[tilespmem:s26], [sflag:$0x2] =	stream.indirect_vreg.gather @!p0 [hbm4b:s1+s25], $0x80, v5, vm1, $0xb8;
	[tilespmem:$0x18800] =	vst v63  }
0x12d: {  	v4 =	vadd.s32 @!p0 v7, v4;
	s26 =	simm.s32 @!p0 $0xA000  }
0x12e: {  	[tilespmem:s26], [sflag:$0x2] =	stream.indirect_vreg.gather @!p0 [hbm4b:s6+s25], $0x80, v5, vm1, $0xb8;
	[tilespmem:$0x18800] =	vst v63  }
0x12f: {  	s26 =	simm.s32 @!p0 $0xA800  }
0x130: {  	[tilespmem:s26], [sflag:$0x2] =	stream.indirect_vreg.gather @!p0 [hbm4b:s7+s25], $0x80, v5, vm1, $0xb8;
	[tilespmem:$0x18800] =	vst v63  }
0x131: {  	s26 =	simm.s32 @!p0 $0xB000  }
0x132: {  	[tilespmem:s26], [sflag:$0x2] =	stream.indirect_vreg.gather @!p0 [hbm4b:s1+s25], $0x80, v4, vm1, $0xb8;
	[tilespmem:$0x18800] =	vst v63  }
0x133: {  	s26 =	simm.s32 @!p0 $0xB800  }
0x134: {  	[tilespmem:s26], [sflag:$0x2] =	stream.indirect_vreg.gather @!p0 [hbm4b:s6+s25], $0x80, v4, vm1, $0xb8;
	[tilespmem:$0x18800] =	vst v63  }
0x135: {  	s28 =	simm.s32 @!p0 $0xC000;
	s26 =	rddreg [dreg:$0x6]  }
0x136: {  	[tilespmem:s28], [sflag:$0x2] =	stream.indirect_vreg.gather @!p0 [hbm4b:s7+s25], $0x80, v4, vm1, $0xb8;
	[tilespmem:$0x18800] =	vst v63  }
0x137: {  	s28 =	sadd.s32 s23, s26;
	s23 =	sadd.s32 $0x3000, s23  }
0x138: {  	p0 =	sne.s32 s23, $0x30000  }
.Ltmp1:
0x139: {  	_ = 	snop;
	(pc) =	sbr.rel @p0 .LBB2_4-.Ltmp1, $3  }
0x13a: {  	_ =	sdelay $0x1  }
0x13b: {  	s24 =	sadd.s32 $0x80, s24  }
0x13c: {  	[hbm4b:s28+s2] =	stream.linear.scatter [tilespmem:s14], [sflag:$0x8], $0x6000, $0x38;
	[tilespmem:$0x18800] =	vst v63  }
0x13d: {  	s21 =	sadd.s32 $0x1, s21  }
0x13e: {  	_ =	swait.ge [sflag:s19], $0x6000;
	p0 =	sne.s32 s21, s8  }
.Ltmp2:
0x13f: {  	[sflag:s19] =	ssyncset.done $0x0;
	(pc) =	sbr.rel @p0 .LBB2_1-.Ltmp2, $4  }
0x140: {  	[sflag:s19] =	ssyncadd.s32 $0xFFFFA000  }
0x141: {  	_ =	swait.ge [sflag:s20], $0x6000  }
0x142: {  	[sflag:s20] =	ssyncset.done $0x0  }
0x143: {  	[sflag:s20] =	ssyncadd.s32 $0xFFFFA000  }
0x144: {  	_ =	sfence.sel $0x180000  }
0x145: {  	[bflag:$0x0] =	sbarrier.arrive $0xFFFF  }
0x146: {  	_ =	strace $0x90000047  }
0x147: {  	s0 =	stileid.u32;
	[bflag:$0x2] =	sbarrier.arrive $0xFFFF  }
0x148: {  	p0 =	sne.s32 s0, $0x0;
	s0 =	rddreg [dreg:$0x3]  }
0x149: {  	s0 =	sadd.s32 @!p0 $0x100000, s0  }
0x14a: {  	[sflag:s0] =	ssyncadd.tile.s32 @!p0 $0x1;
	_ =	shalt  }
.Lfunc_end2:
_tile_overlayer_lowered:
.L_overlay_start_2:
0x14b: {  	(tag) =	ssettag $0x2  }
0x14c: {  	s0 =	rddreg [dreg:$0x0];
	s2 =	stileid.u32  }
0x14d: {  	s1 =	rddreg [dreg:$0x1];
	p0 =	sne.s32 s2, $0x0  }
0x14e: {  	s3 =	rddreg [dreg:$0x2];
	[bflag:$0x3] =	sbarrier.arrive $0xFFFF;
	s2 =	simm.s32 @!p0 $0x1C09  }
0x14f: {  	[timem:s3], [sflag:s2] =	dma.local @!p0 [hbm:s0], s1  }
0x150: {  	s0 =	simm.s32 @!p0 $0x9  }
0x151: {  	_ =	swait.ge @!p0 [sflag:s0], s1  }
0x152: {  	s1 =	ssub.s32 @!p0 $0x0, s1;
	[sflag:s0] =	ssyncset.done @!p0 $0x0  }
0x153: {  	[sflag:s0] =	ssyncadd.s32 @!p0 s1  }
0x154: {  	[bflag:$0x3] =	sbarrier.arrive $0xFFFF  }
0x155: {  	_ =	shalt  }

</sc_bundles>
